<compile_context>
chip_gen: v7x
topology: tpu7x:2x2x1
jax: 0.10.2.dev20260603
libtpu: 0.0.44.dev20260713+nightly
codegen_flags: <defaults>
</compile_context>

<pallas_src>
import functools

import jax
import jax.numpy as jnp
from jax import lax
from jax.experimental import pallas as pl
from jax.experimental.pallas import tpu as pltpu
from jax.experimental.pallas import tpu_sc as plsc

NE = 1024
D = 64
B = 32
S = 576
N = B * S

RB = 4608
GRID = N // RB

CW = 128

NW = 32
BPW = N // NW
NCH, CH = 6, 96


def _argmin_body(zsq_ref, esq_ref, z_ref, emb_ref, idx_ref):
    z = z_ref[...].reshape(RB, D)
    zsq = zsq_ref[...]
    run_min = run_idx = None
    for c in range(NE // CW):
        m = lax.dot_general(
            emb_ref[pl.ds(c * CW, CW), :], z,
            (((1,), (1,)), ((), ())),
            preferred_element_type=jnp.float32,
            precision=lax.Precision.DEFAULT,
        )
        d = zsq - 2.0 * m + esq_ref[pl.ds(c * CW, CW), :]
        jc = lax.broadcasted_iota(jnp.int32, d.shape, 0) + jnp.int32(c * CW)
        if c == 0:
            run_min, run_idx = d, jc
        else:
            pred = d < run_min
            run_min = jnp.where(pred, d, run_min)
            run_idx = jnp.where(pred, jc, run_idx)
    mn = jnp.min(run_min, axis=0, keepdims=True)
    cand = jnp.where(run_min == mn, run_idx, jnp.int32(NE))
    idx_ref[...] = jnp.min(cand, axis=0).reshape(1, RB)


_nearest = pl.pallas_call(
    _argmin_body,
    grid=(GRID,),
    in_specs=[
        pl.BlockSpec((1, RB), lambda i: (0, i)),
        pl.BlockSpec((NE, 1), lambda i: (0, 0)),
        pl.BlockSpec((8, S, D), lambda i: (i, 0, 0)),
        pl.BlockSpec((NE, D), lambda i: (0, 0)),
    ],
    out_specs=pl.BlockSpec((1, RB), lambda i: (0, i)),
    out_shape=jax.ShapeDtypeStruct((1, N), jnp.int32),
)


@functools.partial(
    pl.kernel,
    mesh=plsc.VectorSubcoreMesh(core_axis_name="c", subcore_axis_name="s"),
    out_type=jax.ShapeDtypeStruct((NW, BPW, D), jnp.float32),
    scratch_types=[
        pltpu.VMEM((BPW,), jnp.int32),
        pltpu.VMEM((2, CH, 2 * D), jnp.float32),
        pltpu.VMEM((BPW, D), jnp.float32),
        pltpu.SemaphoreType.DMA,
        pltpu.SemaphoreType.DMA,
    ],
)
def _gather(emb_hbm, idx_hbm, out_hbm, idx_v, rows_v, packed_v, sem0, sem1):
    wid = lax.axis_index("s") * 2 + lax.axis_index("c")
    sems = (sem0, sem1)
    pltpu.sync_copy(idx_hbm.at[wid], idx_v)

    def _fire(j):
        return pltpu.async_copy(
            emb_hbm.at[idx_v.at[pl.ds(j * CH, CH)]], rows_v.at[j % 2],
            sems[j % 2],
        )

    pend = _fire(0)
    for j in range(NCH):
        pend.wait()
        if j + 1 < NCH:
            pend = _fire(j + 1)
        buf = j % 2

        def _compact(r, carry):
            for k in range(D // 16):
                packed_v[j * CH + r, pl.ds(k * 16, 16)] = rows_v[
                    buf, r, pl.ds(k * 16, 16)
                ]
            return carry

        lax.fori_loop(0, CH, _compact, 0)
    pltpu.sync_copy(packed_v, out_hbm.at[wid])


def kernel(z_e, embeddings):
    z_flat = z_e.reshape(-1, D)
    zsq = jnp.sum(jnp.square(z_flat), axis=1, keepdims=True).reshape(1, N)
    esq = jnp.sum(jnp.square(embeddings), axis=1)[:, None]
    idx_row = _nearest(zsq, esq, z_e, embeddings)
    z = idx_row.reshape(B, S)
    emb2 = jnp.concatenate([embeddings, embeddings], axis=1)
    z_q = _gather(emb2, z).reshape(z_e.shape)
    return z, z_q

# --- scband reference (transcript-rebuilt; emitter-appended) ---
"""Pipeline reference for scband-vector-quantizer-3779571221171 (READ-ONLY COPY).

The authoritative reference and input builder live on the scoring server;
editing this copy changes nothing except your own understanding.
"""

import jax, jax.numpy as jnp
import numpy as np

NUM_EMBEDDINGS = 1024
EMBEDDING_SIZE = 64


def setup_inputs(seed: int = 0) -> dict:
    key = jax.random.key(seed)
    k1, k2 = jax.random.split(key)
    z_e = jax.random.normal(k1, (32, 576, EMBEDDING_SIZE), dtype=jnp.float32)
    limit = float(np.sqrt(3.0 / NUM_EMBEDDINGS))
    embeddings = jax.random.uniform(k2, (NUM_EMBEDDINGS, EMBEDDING_SIZE), dtype=jnp.float32, minval=-limit, maxval=limit)
    return {"z_e": z_e, "embeddings": embeddings}


def reference(z_e, embeddings):
    # nearest_indices
    embedding_size = embeddings.shape[1]
    z_e_flat = z_e.reshape(-1, embedding_size)
    distances_flat = (
        jnp.sum(jnp.square(z_e_flat), axis=1, keepdims=True)
        - 2.0 * (z_e_flat @ embeddings.T)
        + jnp.sum(jnp.square(embeddings), axis=1)[None, :]
    )
    z = jnp.argmin(distances_flat, axis=-1).reshape(z_e.shape[:-1])
    # lookup (embedding gather)
    z_q = jnp.take(embeddings, z, axis=0)
    return (z, z_q)

if __name__ == "__main__":
    import jax
    _d = setup_inputs()
    print(jax.jit(kernel)(*tuple(_d.values())))

</pallas_src>

<mosaic_0001>
#map = affine_map<(d0, d1) -> (0, 0)>
#map1 = affine_map<(d0, d1) -> (0, 0, 0)>
module attributes {stable_mosaic.version = 14 : i64} {
  func.func @_gather(%arg0: i32, %arg1: i32, %arg2: memref<1024x128xf32, #tpu.memory_space<hbm>>, %arg3: memref<32x576xi32, #tpu.memory_space<hbm>>, %arg4: memref<32x576x64xf32, #tpu.memory_space<hbm>>, %arg5: memref<576xi32, #tpu.memory_space<vmem>>, %arg6: memref<2x96x128xf32, #tpu.memory_space<vmem>>, %arg7: memref<576x64xf32, #tpu.memory_space<vmem>>, %arg8: memref<!tpu.dma_semaphore, #tpu.memory_space<semaphore_mem>>, %arg9: memref<!tpu.dma_semaphore, #tpu.memory_space<semaphore_mem>>) attributes {dimension_semantics = [#tpu.dimension_semantics<core_parallel>, #tpu.dimension_semantics<subcore_parallel>], iteration_bounds = array<i64: 2, 16>, scalar_prefetch = 0 : i64, scratch_operands = 5 : i64, tpu.core_type = #tpu.core_type<sc_vector_subcore>, window_params = [{transform_indices = #map}, {transform_indices = #map}, {transform_indices = #map1}]} {
    %mul3A = arith.constant 2 : i32
    %mul3A_0 = arith.muli %arg1, %mul3A : i32
    %add3A = arith.addi %mul3A_0, %arg0 : i32
    "tpu.region"() ({
      %run_scoped3A = tpu.sem_alloc : memref<!tpu.dma_semaphore, #tpu.memory_space<semaphore_mem>>
      %dma_start3A_154 = arith.constant 0 : i32
      %dma_start3A_155 = tpu.memref_slice %arg3[%add3A, %dma_start3A_154] : memref<32x576xi32, #tpu.memory_space<hbm>> -> memref<1x576xi32, #tpu.memory_space<hbm>>
      %dma_start3A_156 = tpu.memref_squeeze %dma_start3A_155 : memref<1x576xi32, #tpu.memory_space<hbm>> -> memref<576xi32, #tpu.memory_space<hbm>>
      %dma_start3A_157 = arith.constant 0 : i32
      %dma_start3A_158 = tpu.memref_slice %arg3[%add3A, %dma_start3A_157] : memref<32x576xi32, #tpu.memory_space<hbm>> -> memref<1x576xi32, #tpu.memory_space<hbm>>
      %dma_start3A_159 = tpu.memref_squeeze %dma_start3A_158 : memref<1x576xi32, #tpu.memory_space<hbm>> -> memref<576xi32, #tpu.memory_space<hbm>>
      tpu.enqueue_dma source(%dma_start3A_159 : memref<576xi32, #tpu.memory_space<hbm>>) target(%arg5 : memref<576xi32, #tpu.memory_space<vmem>>) target_semaphore(%run_scoped3A : memref<!tpu.dma_semaphore, #tpu.memory_space<semaphore_mem>>)
      %dma_wait3A_160 = arith.constant 0 : i32
      %dma_wait3A_161 = tpu.memref_slice %arg3[%add3A, %dma_wait3A_160] : memref<32x576xi32, #tpu.memory_space<hbm>> -> memref<1x576xi32, #tpu.memory_space<hbm>>
      %dma_wait3A_162 = tpu.memref_squeeze %dma_wait3A_161 : memref<1x576xi32, #tpu.memory_space<hbm>> -> memref<576xi32, #tpu.memory_space<hbm>>
      %dma_wait3A_163 = arith.constant 0 : i32
      %dma_wait3A_164 = tpu.memref_slice %arg3[%add3A, %dma_wait3A_163] : memref<32x576xi32, #tpu.memory_space<hbm>> -> memref<1x576xi32, #tpu.memory_space<hbm>>
      %dma_wait3A_165 = tpu.memref_squeeze %dma_wait3A_164 : memref<1x576xi32, #tpu.memory_space<hbm>> -> memref<576xi32, #tpu.memory_space<hbm>>
      tpu.wait_dma2 semaphore(%run_scoped3A : memref<!tpu.dma_semaphore, #tpu.memory_space<semaphore_mem>>) src(%dma_wait3A_165 : memref<576xi32, #tpu.memory_space<hbm>>) dst(%arg5 : memref<576xi32, #tpu.memory_space<vmem>>)
      tpu.yield
    }) : () -> ()
    %dma_start3A = arith.constant 0 : i32
    %dma_start3A_1 = arith.constant 0 : i32
    %dma_start3A_2 = arith.constant 0 : i32
    %dma_start3A_3 = tpu.memref_slice %arg6[%dma_start3A, %dma_start3A_1, %dma_start3A_2] : memref<2x96x128xf32, #tpu.memory_space<vmem>> -> memref<1x96x128xf32, #tpu.memory_space<vmem>>
    %dma_start3A_4 = tpu.memref_squeeze %dma_start3A_3 : memref<1x96x128xf32, #tpu.memory_space<vmem>> -> memref<96x128xf32, #tpu.memory_space<vmem>>
    %dma_start3A_5 = arith.constant 0 : i32
    %dma_start3A_6 = tpu.memref_slice %arg5[%dma_start3A_5] : memref<576xi32, #tpu.memory_space<vmem>> -> memref<96xi32, #tpu.memory_space<vmem>>
    %dma_start3A_7 = arith.constant 0 : i32
    %dma_start3A_8 = arith.constant 0 : i32
    %dma_start3A_9 = tpu.memref_slice %arg2[%dma_start3A_7, %dma_start3A_8] : memref<1024x128xf32, #tpu.memory_space<hbm>> -> memref<1024x128xf32, #tpu.memory_space<hbm>>
    tpu.enqueue_indirect_dma source(%dma_start3A_9 : memref<1024x128xf32, #tpu.memory_space<hbm>>) target(%dma_start3A_4 : memref<96x128xf32, #tpu.memory_space<vmem>>) offsets(%dma_start3A_6 : memref<96xi32, #tpu.memory_space<vmem>>) semaphore(%arg8 : memref<!tpu.dma_semaphore, #tpu.memory_space<semaphore_mem>>)
    %dma_wait3A = arith.constant 0 : i32
    %dma_wait3A_10 = arith.constant 0 : i32
    %dma_wait3A_11 = arith.constant 0 : i32
    %dma_wait3A_12 = tpu.memref_slice %arg6[%dma_wait3A, %dma_wait3A_10, %dma_wait3A_11] : memref<2x96x128xf32, #tpu.memory_space<vmem>> -> memref<1x96x128xf32, #tpu.memory_space<vmem>>
    %dma_wait3A_13 = tpu.memref_squeeze %dma_wait3A_12 : memref<1x96x128xf32, #tpu.memory_space<vmem>> -> memref<96x128xf32, #tpu.memory_space<vmem>>
    %dma_wait3A_14 = arith.constant 0 : i32
    %dma_wait3A_15 = tpu.memref_slice %arg5[%dma_wait3A_14] : memref<576xi32, #tpu.memory_space<vmem>> -> memref<96xi32, #tpu.memory_space<vmem>>
    %dma_wait3A_16 = arith.constant 0 : i32
    %dma_wait3A_17 = arith.constant 0 : i32
    %dma_wait3A_18 = tpu.memref_slice %arg2[%dma_wait3A_16, %dma_wait3A_17] : memref<1024x128xf32, #tpu.memory_space<hbm>> -> memref<1024x128xf32, #tpu.memory_space<hbm>>
    tpu.wait_indirect_dma semaphore(%arg8 : memref<!tpu.dma_semaphore, #tpu.memory_space<semaphore_mem>>) src(%dma_wait3A_18 : memref<1024x128xf32, #tpu.memory_space<hbm>>) dst(%dma_wait3A_13 : memref<96x128xf32, #tpu.memory_space<vmem>>)
    %dma_start3A_19 = arith.constant 1 : i32
    %dma_start3A_20 = arith.constant 0 : i32
    %dma_start3A_21 = arith.constant 0 : i32
    %dma_start3A_22 = tpu.memref_slice %arg6[%dma_start3A_19, %dma_start3A_20, %dma_start3A_21] : memref<2x96x128xf32, #tpu.memory_space<vmem>> -> memref<1x96x128xf32, #tpu.memory_space<vmem>>
    %dma_start3A_23 = tpu.memref_squeeze %dma_start3A_22 : memref<1x96x128xf32, #tpu.memory_space<vmem>> -> memref<96x128xf32, #tpu.memory_space<vmem>>
    %dma_start3A_24 = arith.constant 96 : i32
    %dma_start3A_25 = tpu.memref_slice %arg5[%dma_start3A_24] : memref<576xi32, #tpu.memory_space<vmem>> -> memref<96xi32, #tpu.memory_space<vmem>>
    %dma_start3A_26 = arith.constant 0 : i32
    %dma_start3A_27 = arith.constant 0 : i32
    %dma_start3A_28 = tpu.memref_slice %arg2[%dma_start3A_26, %dma_start3A_27] : memref<1024x128xf32, #tpu.memory_space<hbm>> -> memref<1024x128xf32, #tpu.memory_space<hbm>>
    tpu.enqueue_indirect_dma source(%dma_start3A_28 : memref<1024x128xf32, #tpu.memory_space<hbm>>) target(%dma_start3A_23 : memref<96x128xf32, #tpu.memory_space<vmem>>) offsets(%dma_start3A_25 : memref<96xi32, #tpu.memory_space<vmem>>) semaphore(%arg9 : memref<!tpu.dma_semaphore, #tpu.memory_space<semaphore_mem>>)
    %scan3A = arith.constant 0 : i32
    %scan3A_29 = arith.constant 0 : i32
    %scan3A_30 = arith.constant 96 : i32
    %scan3A_31 = arith.addi %scan3A_29, %scan3A_30 : i32
    %scan3A_32 = arith.constant 1 : i32
    scf.for %scan3A_154 = %scan3A_29 to %scan3A_31 step %scan3A_32  : i32 {
      %get3A = arith.constant 0 : i32
      %get3A_155 = arith.index_cast %get3A : i32 to index
      %get3A_156 = arith.index_cast %scan3A_154 : i32 to index
      %get3A_157 = arith.constant 0 : index
      %get3A_158 = tpu.vector_load %arg6[%get3A_155, %get3A_156, %get3A_157] {strides = array<i32>} : memref<2x96x128xf32, #tpu.memory_space<vmem>>, vector<1x1x16xf32>,
      %get3A_159 = vector.shape_cast %get3A_158 : vector<1x1x16xf32> to vector<16xf32>
      %add3A_160 = arith.constant 0 : i32
      %add3A_161 = arith.addi %add3A_160, %scan3A_154 : i32
      %swap3A = arith.index_cast %add3A_161 : i32 to index
      %swap3A_162 = arith.constant 0 : index
      %swap3A_163 = tpu.vector_load %arg7[%swap3A, %swap3A_162] {strides = array<i32>} : memref<576x64xf32, #tpu.memory_space<vmem>>, vector<1x16xf32>,
      %swap3A_164 = vector.shape_cast %swap3A_163 : vector<1x16xf32> to vector<16xf32>
      %swap3A_165 = vector.shape_cast %get3A_159 : vector<16xf32> to vector<1x16xf32>
      tpu.vector_store %arg7[%swap3A, %swap3A_162], %swap3A_165 {strides = array<i32>} : memref<576x64xf32, #tpu.memory_space<vmem>>, vector<1x16xf32>,
      %get3A_166 = arith.constant 0 : i32
      %get3A_167 = arith.index_cast %get3A_166 : i32 to index
      %get3A_168 = arith.index_cast %scan3A_154 : i32 to index
      %get3A_169 = arith.constant 16 : index
      %get3A_170 = tpu.vector_load %arg6[%get3A_167, %get3A_168, %get3A_169] {strides = array<i32>} : memref<2x96x128xf32, #tpu.memory_space<vmem>>, vector<1x1x16xf32>,
      %get3A_171 = vector.shape_cast %get3A_170 : vector<1x1x16xf32> to vector<16xf32>
      %add3A_172 = arith.constant 0 : i32
      %add3A_173 = arith.addi %add3A_172, %scan3A_154 : i32
      %swap3A_174 = arith.index_cast %add3A_173 : i32 to index
      %swap3A_175 = arith.constant 16 : index
      %swap3A_176 = tpu.vector_load %arg7[%swap3A_174, %swap3A_175] {strides = array<i32>} : memref<576x64xf32, #tpu.memory_space<vmem>>, vector<1x16xf32>,
      %swap3A_177 = vector.shape_cast %swap3A_176 : vector<1x16xf32> to vector<16xf32>
      %swap3A_178 = vector.shape_cast %get3A_171 : vector<16xf32> to vector<1x16xf32>
      tpu.vector_store %arg7[%swap3A_174, %swap3A_175], %swap3A_178 {strides = array<i32>} : memref<576x64xf32, #tpu.memory_space<vmem>>, vector<1x16xf32>,
      %get3A_179 = arith.constant 0 : i32
      %get3A_180 = arith.index_cast %get3A_179 : i32 to index
      %get3A_181 = arith.index_cast %scan3A_154 : i32 to index
      %get3A_182 = arith.constant 32 : index
      %get3A_183 = tpu.vector_load %arg6[%get3A_180, %get3A_181, %get3A_182] {strides = array<i32>} : memref<2x96x128xf32, #tpu.memory_space<vmem>>, vector<1x1x16xf32>,
      %get3A_184 = vector.shape_cast %get3A_183 : vector<1x1x16xf32> to vector<16xf32>
      %add3A_185 = arith.constant 0 : i32
      %add3A_186 = arith.addi %add3A_185, %scan3A_154 : i32
      %swap3A_187 = arith.index_cast %add3A_186 : i32 to index
      %swap3A_188 = arith.constant 32 : index
      %swap3A_189 = tpu.vector_load %arg7[%swap3A_187, %swap3A_188] {strides = array<i32>} : memref<576x64xf32, #tpu.memory_space<vmem>>, vector<1x16xf32>,
      %swap3A_190 = vector.shape_cast %swap3A_189 : vector<1x16xf32> to vector<16xf32>
      %swap3A_191 = vector.shape_cast %get3A_184 : vector<16xf32> to vector<1x16xf32>
      tpu.vector_store %arg7[%swap3A_187, %swap3A_188], %swap3A_191 {strides = array<i32>} : memref<576x64xf32, #tpu.memory_space<vmem>>, vector<1x16xf32>,
      %get3A_192 = arith.constant 0 : i32
      %get3A_193 = arith.index_cast %get3A_192 : i32 to index
      %get3A_194 = arith.index_cast %scan3A_154 : i32 to index
      %get3A_195 = arith.constant 48 : index
      %get3A_196 = tpu.vector_load %arg6[%get3A_193, %get3A_194, %get3A_195] {strides = array<i32>} : memref<2x96x128xf32, #tpu.memory_space<vmem>>, vector<1x1x16xf32>,
      %get3A_197 = vector.shape_cast %get3A_196 : vector<1x1x16xf32> to vector<16xf32>
      %add3A_198 = arith.constant 0 : i32
      %add3A_199 = arith.addi %add3A_198, %scan3A_154 : i32
      %swap3A_200 = arith.index_cast %add3A_199 : i32 to index
      %swap3A_201 = arith.constant 48 : index
      %swap3A_202 = tpu.vector_load %arg7[%swap3A_200, %swap3A_201] {strides = array<i32>} : memref<576x64xf32, #tpu.memory_space<vmem>>, vector<1x16xf32>,
      %swap3A_203 = vector.shape_cast %swap3A_202 : vector<1x16xf32> to vector<16xf32>
      %swap3A_204 = vector.shape_cast %get3A_197 : vector<16xf32> to vector<1x16xf32>
      tpu.vector_store %arg7[%swap3A_200, %swap3A_201], %swap3A_204 {strides = array<i32>} : memref<576x64xf32, #tpu.memory_space<vmem>>, vector<1x16xf32>,
    }
    %scan3A_33 = arith.constant 96 : i32
    %dma_wait3A_34 = arith.constant 1 : i32
    %dma_wait3A_35 = arith.constant 0 : i32
    %dma_wait3A_36 = arith.constant 0 : i32
    %dma_wait3A_37 = tpu.memref_slice %arg6[%dma_wait3A_34, %dma_wait3A_35, %dma_wait3A_36] : memref<2x96x128xf32, #tpu.memory_space<vmem>> -> memref<1x96x128xf32, #tpu.memory_space<vmem>>
    %dma_wait3A_38 = tpu.memref_squeeze %dma_wait3A_37 : memref<1x96x128xf32, #tpu.memory_space<vmem>> -> memref<96x128xf32, #tpu.memory_space<vmem>>
    %dma_wait3A_39 = arith.constant 96 : i32
    %dma_wait3A_40 = tpu.memref_slice %arg5[%dma_wait3A_39] : memref<576xi32, #tpu.memory_space<vmem>> -> memref<96xi32, #tpu.memory_space<vmem>>
    %dma_wait3A_41 = arith.constant 0 : i32
    %dma_wait3A_42 = arith.constant 0 : i32
    %dma_wait3A_43 = tpu.memref_slice %arg2[%dma_wait3A_41, %dma_wait3A_42] : memref<1024x128xf32, #tpu.memory_space<hbm>> -> memref<1024x128xf32, #tpu.memory_space<hbm>>
    tpu.wait_indirect_dma semaphore(%arg9 : memref<!tpu.dma_semaphore, #tpu.memory_space<semaphore_mem>>) src(%dma_wait3A_43 : memref<1024x128xf32, #tpu.memory_space<hbm>>) dst(%dma_wait3A_38 : memref<96x128xf32, #tpu.memory_space<vmem>>)
    %dma_start3A_44 = arith.constant 0 : i32
    %dma_start3A_45 = arith.constant 0 : i32
    %dma_start3A_46 = arith.constant 0 : i32
    %dma_start3A_47 = tpu.memref_slice %arg6[%dma_start3A_44, %dma_start3A_45, %dma_start3A_46] : memref<2x96x128xf32, #tpu.memory_space<vmem>> -> memref<1x96x128xf32, #tpu.memory_space<vmem>>
    %dma_start3A_48 = tpu.memref_squeeze %dma_start3A_47 : memref<1x96x128xf32, #tpu.memory_space<vmem>> -> memref<96x128xf32, #tpu.memory_space<vmem>>
    %dma_start3A_49 = arith.constant 192 : i32
    %dma_start3A_50 = tpu.memref_slice %arg5[%dma_start3A_49] : memref<576xi32, #tpu.memory_space<vmem>> -> memref<96xi32, #tpu.memory_space<vmem>>
    %dma_start3A_51 = arith.constant 0 : i32
    %dma_start3A_52 = arith.constant 0 : i32
    %dma_start3A_53 = tpu.memref_slice %arg2[%dma_start3A_51, %dma_start3A_52] : memref<1024x128xf32, #tpu.memory_space<hbm>> -> memref<1024x128xf32, #tpu.memory_space<hbm>>
    tpu.enqueue_indirect_dma source(%dma_start3A_53 : memref<1024x128xf32, #tpu.memory_space<hbm>>) target(%dma_start3A_48 : memref<96x128xf32, #tpu.memory_space<vmem>>) offsets(%dma_start3A_50 : memref<96xi32, #tpu.memory_space<vmem>>) semaphore(%arg8 : memref<!tpu.dma_semaphore, #tpu.memory_space<semaphore_mem>>)
    %scan3A_54 = arith.constant 0 : i32
    %scan3A_55 = arith.constant 0 : i32
    %scan3A_56 = arith.constant 96 : i32
    %scan3A_57 = arith.addi %scan3A_55, %scan3A_56 : i32
    %scan3A_58 = arith.constant 1 : i32
    scf.for %scan3A_154 = %scan3A_55 to %scan3A_57 step %scan3A_58  : i32 {
      %get3A = arith.constant 1 : i32
      %get3A_155 = arith.index_cast %get3A : i32 to index
      %get3A_156 = arith.index_cast %scan3A_154 : i32 to index
      %get3A_157 = arith.constant 0 : index
      %get3A_158 = tpu.vector_load %arg6[%get3A_155, %get3A_156, %get3A_157] {strides = array<i32>} : memref<2x96x128xf32, #tpu.memory_space<vmem>>, vector<1x1x16xf32>,
      %get3A_159 = vector.shape_cast %get3A_158 : vector<1x1x16xf32> to vector<16xf32>
      %add3A_160 = arith.constant 96 : i32
      %add3A_161 = arith.addi %add3A_160, %scan3A_154 : i32
      %swap3A = arith.index_cast %add3A_161 : i32 to index
      %swap3A_162 = arith.constant 0 : index
      %swap3A_163 = tpu.vector_load %arg7[%swap3A, %swap3A_162] {strides = array<i32>} : memref<576x64xf32, #tpu.memory_space<vmem>>, vector<1x16xf32>,
      %swap3A_164 = vector.shape_cast %swap3A_163 : vector<1x16xf32> to vector<16xf32>
      %swap3A_165 = vector.shape_cast %get3A_159 : vector<16xf32> to vector<1x16xf32>
      tpu.vector_store %arg7[%swap3A, %swap3A_162], %swap3A_165 {strides = array<i32>} : memref<576x64xf32, #tpu.memory_space<vmem>>, vector<1x16xf32>,
      %get3A_166 = arith.constant 1 : i32
      %get3A_167 = arith.index_cast %get3A_166 : i32 to index
      %get3A_168 = arith.index_cast %scan3A_154 : i32 to index
      %get3A_169 = arith.constant 16 : index
      %get3A_170 = tpu.vector_load %arg6[%get3A_167, %get3A_168, %get3A_169] {strides = array<i32>} : memref<2x96x128xf32, #tpu.memory_space<vmem>>, vector<1x1x16xf32>,
      %get3A_171 = vector.shape_cast %get3A_170 : vector<1x1x16xf32> to vector<16xf32>
      %add3A_172 = arith.constant 96 : i32
      %add3A_173 = arith.addi %add3A_172, %scan3A_154 : i32
      %swap3A_174 = arith.index_cast %add3A_173 : i32 to index
      %swap3A_175 = arith.constant 16 : index
      %swap3A_176 = tpu.vector_load %arg7[%swap3A_174, %swap3A_175] {strides = array<i32>} : memref<576x64xf32, #tpu.memory_space<vmem>>, vector<1x16xf32>,
      %swap3A_177 = vector.shape_cast %swap3A_176 : vector<1x16xf32> to vector<16xf32>
      %swap3A_178 = vector.shape_cast %get3A_171 : vector<16xf32> to vector<1x16xf32>
      tpu.vector_store %arg7[%swap3A_174, %swap3A_175], %swap3A_178 {strides = array<i32>} : memref<576x64xf32, #tpu.memory_space<vmem>>, vector<1x16xf32>,
      %get3A_179 = arith.constant 1 : i32
      %get3A_180 = arith.index_cast %get3A_179 : i32 to index
      %get3A_181 = arith.index_cast %scan3A_154 : i32 to index
      %get3A_182 = arith.constant 32 : index
      %get3A_183 = tpu.vector_load %arg6[%get3A_180, %get3A_181, %get3A_182] {strides = array<i32>} : memref<2x96x128xf32, #tpu.memory_space<vmem>>, vector<1x1x16xf32>,
      %get3A_184 = vector.shape_cast %get3A_183 : vector<1x1x16xf32> to vector<16xf32>
      %add3A_185 = arith.constant 96 : i32
      %add3A_186 = arith.addi %add3A_185, %scan3A_154 : i32
      %swap3A_187 = arith.index_cast %add3A_186 : i32 to index
      %swap3A_188 = arith.constant 32 : index
      %swap3A_189 = tpu.vector_load %arg7[%swap3A_187, %swap3A_188] {strides = array<i32>} : memref<576x64xf32, #tpu.memory_space<vmem>>, vector<1x16xf32>,
      %swap3A_190 = vector.shape_cast %swap3A_189 : vector<1x16xf32> to vector<16xf32>
      %swap3A_191 = vector.shape_cast %get3A_184 : vector<16xf32> to vector<1x16xf32>
      tpu.vector_store %arg7[%swap3A_187, %swap3A_188], %swap3A_191 {strides = array<i32>} : memref<576x64xf32, #tpu.memory_space<vmem>>, vector<1x16xf32>,
      %get3A_192 = arith.constant 1 : i32
      %get3A_193 = arith.index_cast %get3A_192 : i32 to index
      %get3A_194 = arith.index_cast %scan3A_154 : i32 to index
      %get3A_195 = arith.constant 48 : index
      %get3A_196 = tpu.vector_load %arg6[%get3A_193, %get3A_194, %get3A_195] {strides = array<i32>} : memref<2x96x128xf32, #tpu.memory_space<vmem>>, vector<1x1x16xf32>,
      %get3A_197 = vector.shape_cast %get3A_196 : vector<1x1x16xf32> to vector<16xf32>
      %add3A_198 = arith.constant 96 : i32
      %add3A_199 = arith.addi %add3A_198, %scan3A_154 : i32
      %swap3A_200 = arith.index_cast %add3A_199 : i32 to index
      %swap3A_201 = arith.constant 48 : index
      %swap3A_202 = tpu.vector_load %arg7[%swap3A_200, %swap3A_201] {strides = array<i32>} : memref<576x64xf32, #tpu.memory_space<vmem>>, vector<1x16xf32>,
      %swap3A_203 = vector.shape_cast %swap3A_202 : vector<1x16xf32> to vector<16xf32>
      %swap3A_204 = vector.shape_cast %get3A_197 : vector<16xf32> to vector<1x16xf32>
      tpu.vector_store %arg7[%swap3A_200, %swap3A_201], %swap3A_204 {strides = array<i32>} : memref<576x64xf32, #tpu.memory_space<vmem>>, vector<1x16xf32>,
    }
    %scan3A_59 = arith.constant 96 : i32
    %dma_wait3A_60 = arith.constant 0 : i32
    %dma_wait3A_61 = arith.constant 0 : i32
    %dma_wait3A_62 = arith.constant 0 : i32
    %dma_wait3A_63 = tpu.memref_slice %arg6[%dma_wait3A_60, %dma_wait3A_61, %dma_wait3A_62] : memref<2x96x128xf32, #tpu.memory_space<vmem>> -> memref<1x96x128xf32, #tpu.memory_space<vmem>>
    %dma_wait3A_64 = tpu.memref_squeeze %dma_wait3A_63 : memref<1x96x128xf32, #tpu.memory_space<vmem>> -> memref<96x128xf32, #tpu.memory_space<vmem>>
    %dma_wait3A_65 = arith.constant 192 : i32
    %dma_wait3A_66 = tpu.memref_slice %arg5[%dma_wait3A_65] : memref<576xi32, #tpu.memory_space<vmem>> -> memref<96xi32, #tpu.memory_space<vmem>>
    %dma_wait3A_67 = arith.constant 0 : i32
    %dma_wait3A_68 = arith.constant 0 : i32
    %dma_wait3A_69 = tpu.memref_slice %arg2[%dma_wait3A_67, %dma_wait3A_68] : memref<1024x128xf32, #tpu.memory_space<hbm>> -> memref<1024x128xf32, #tpu.memory_space<hbm>>
    tpu.wait_indirect_dma semaphore(%arg8 : memref<!tpu.dma_semaphore, #tpu.memory_space<semaphore_mem>>) src(%dma_wait3A_69 : memref<1024x128xf32, #tpu.memory_space<hbm>>) dst(%dma_wait3A_64 : memref<96x128xf32, #tpu.memory_space<vmem>>)
    %dma_start3A_70 = arith.constant 1 : i32
    %dma_start3A_71 = arith.constant 0 : i32
    %dma_start3A_72 = arith.constant 0 : i32
    %dma_start3A_73 = tpu.memref_slice %arg6[%dma_start3A_70, %dma_start3A_71, %dma_start3A_72] : memref<2x96x128xf32, #tpu.memory_space<vmem>> -> memref<1x96x128xf32, #tpu.memory_space<vmem>>
    %dma_start3A_74 = tpu.memref_squeeze %dma_start3A_73 : memref<1x96x128xf32, #tpu.memory_space<vmem>> -> memref<96x128xf32, #tpu.memory_space<vmem>>
    %dma_start3A_75 = arith.constant 288 : i32
    %dma_start3A_76 = tpu.memref_slice %arg5[%dma_start3A_75] : memref<576xi32, #tpu.memory_space<vmem>> -> memref<96xi32, #tpu.memory_space<vmem>>
    %dma_start3A_77 = arith.constant 0 : i32
    %dma_start3A_78 = arith.constant 0 : i32
    %dma_start3A_79 = tpu.memref_slice %arg2[%dma_start3A_77, %dma_start3A_78] : memref<1024x128xf32, #tpu.memory_space<hbm>> -> memref<1024x128xf32, #tpu.memory_space<hbm>>
    tpu.enqueue_indirect_dma source(%dma_start3A_79 : memref<1024x128xf32, #tpu.memory_space<hbm>>) target(%dma_start3A_74 : memref<96x128xf32, #tpu.memory_space<vmem>>) offsets(%dma_start3A_76 : memref<96xi32, #tpu.memory_space<vmem>>) semaphore(%arg9 : memref<!tpu.dma_semaphore, #tpu.memory_space<semaphore_mem>>)
    %scan3A_80 = arith.constant 0 : i32
    %scan3A_81 = arith.constant 0 : i32
    %scan3A_82 = arith.constant 96 : i32
    %scan3A_83 = arith.addi %scan3A_81, %scan3A_82 : i32
    %scan3A_84 = arith.constant 1 : i32
    scf.for %scan3A_154 = %scan3A_81 to %scan3A_83 step %scan3A_84  : i32 {
      %get3A = arith.constant 0 : i32
      %get3A_155 = arith.index_cast %get3A : i32 to index
      %get3A_156 = arith.index_cast %scan3A_154 : i32 to index
      %get3A_157 = arith.constant 0 : index
      %get3A_158 = tpu.vector_load %arg6[%get3A_155, %get3A_156, %get3A_157] {strides = array<i32>} : memref<2x96x128xf32, #tpu.memory_space<vmem>>, vector<1x1x16xf32>,
      %get3A_159 = vector.shape_cast %get3A_158 : vector<1x1x16xf32> to vector<16xf32>
      %add3A_160 = arith.constant 192 : i32
      %add3A_161 = arith.addi %add3A_160, %scan3A_154 : i32
      %swap3A = arith.index_cast %add3A_161 : i32 to index
      %swap3A_162 = arith.constant 0 : index
      %swap3A_163 = tpu.vector_load %arg7[%swap3A, %swap3A_162] {strides = array<i32>} : memref<576x64xf32, #tpu.memory_space<vmem>>, vector<1x16xf32>,
      %swap3A_164 = vector.shape_cast %swap3A_163 : vector<1x16xf32> to vector<16xf32>
      %swap3A_165 = vector.shape_cast %get3A_159 : vector<16xf32> to vector<1x16xf32>
      tpu.vector_store %arg7[%swap3A, %swap3A_162], %swap3A_165 {strides = array<i32>} : memref<576x64xf32, #tpu.memory_space<vmem>>, vector<1x16xf32>,
      %get3A_166 = arith.constant 0 : i32
      %get3A_167 = arith.index_cast %get3A_166 : i32 to index
      %get3A_168 = arith.index_cast %scan3A_154 : i32 to index
      %get3A_169 = arith.constant 16 : index
      %get3A_170 = tpu.vector_load %arg6[%get3A_167, %get3A_168, %get3A_169] {strides = array<i32>} : memref<2x96x128xf32, #tpu.memory_space<vmem>>, vector<1x1x16xf32>,
      %get3A_171 = vector.shape_cast %get3A_170 : vector<1x1x16xf32> to vector<16xf32>
      %add3A_172 = arith.constant 192 : i32
      %add3A_173 = arith.addi %add3A_172, %scan3A_154 : i32
      %swap3A_174 = arith.index_cast %add3A_173 : i32 to index
      %swap3A_175 = arith.constant 16 : index
      %swap3A_176 = tpu.vector_load %arg7[%swap3A_174, %swap3A_175] {strides = array<i32>} : memref<576x64xf32, #tpu.memory_space<vmem>>, vector<1x16xf32>,
      %swap3A_177 = vector.shape_cast %swap3A_176 : vector<1x16xf32> to vector<16xf32>
      %swap3A_178 = vector.shape_cast %get3A_171 : vector<16xf32> to vector<1x16xf32>
      tpu.vector_store %arg7[%swap3A_174, %swap3A_175], %swap3A_178 {strides = array<i32>} : memref<576x64xf32, #tpu.memory_space<vmem>>, vector<1x16xf32>,
      %get3A_179 = arith.constant 0 : i32
      %get3A_180 = arith.index_cast %get3A_179 : i32 to index
      %get3A_181 = arith.index_cast %scan3A_154 : i32 to index
      %get3A_182 = arith.constant 32 : index
      %get3A_183 = tpu.vector_load %arg6[%get3A_180, %get3A_181, %get3A_182] {strides = array<i32>} : memref<2x96x128xf32, #tpu.memory_space<vmem>>, vector<1x1x16xf32>,
      %get3A_184 = vector.shape_cast %get3A_183 : vector<1x1x16xf32> to vector<16xf32>
      %add3A_185 = arith.constant 192 : i32
      %add3A_186 = arith.addi %add3A_185, %scan3A_154 : i32
      %swap3A_187 = arith.index_cast %add3A_186 : i32 to index
      %swap3A_188 = arith.constant 32 : index
      %swap3A_189 = tpu.vector_load %arg7[%swap3A_187, %swap3A_188] {strides = array<i32>} : memref<576x64xf32, #tpu.memory_space<vmem>>, vector<1x16xf32>,
      %swap3A_190 = vector.shape_cast %swap3A_189 : vector<1x16xf32> to vector<16xf32>
      %swap3A_191 = vector.shape_cast %get3A_184 : vector<16xf32> to vector<1x16xf32>
      tpu.vector_store %arg7[%swap3A_187, %swap3A_188], %swap3A_191 {strides = array<i32>} : memref<576x64xf32, #tpu.memory_space<vmem>>, vector<1x16xf32>,
      %get3A_192 = arith.constant 0 : i32
      %get3A_193 = arith.index_cast %get3A_192 : i32 to index
      %get3A_194 = arith.index_cast %scan3A_154 : i32 to index
      %get3A_195 = arith.constant 48 : index
      %get3A_196 = tpu.vector_load %arg6[%get3A_193, %get3A_194, %get3A_195] {strides = array<i32>} : memref<2x96x128xf32, #tpu.memory_space<vmem>>, vector<1x1x16xf32>,
      %get3A_197 = vector.shape_cast %get3A_196 : vector<1x1x16xf32> to vector<16xf32>
      %add3A_198 = arith.constant 192 : i32
      %add3A_199 = arith.addi %add3A_198, %scan3A_154 : i32
      %swap3A_200 = arith.index_cast %add3A_199 : i32 to index
      %swap3A_201 = arith.constant 48 : index
      %swap3A_202 = tpu.vector_load %arg7[%swap3A_200, %swap3A_201] {strides = array<i32>} : memref<576x64xf32, #tpu.memory_space<vmem>>, vector<1x16xf32>,
      %swap3A_203 = vector.shape_cast %swap3A_202 : vector<1x16xf32> to vector<16xf32>
      %swap3A_204 = vector.shape_cast %get3A_197 : vector<16xf32> to vector<1x16xf32>
      tpu.vector_store %arg7[%swap3A_200, %swap3A_201], %swap3A_204 {strides = array<i32>} : memref<576x64xf32, #tpu.memory_space<vmem>>, vector<1x16xf32>,
    }
    %scan3A_85 = arith.constant 96 : i32
    %dma_wait3A_86 = arith.constant 1 : i32
    %dma_wait3A_87 = arith.constant 0 : i32
    %dma_wait3A_88 = arith.constant 0 : i32
    %dma_wait3A_89 = tpu.memref_slice %arg6[%dma_wait3A_86, %dma_wait3A_87, %dma_wait3A_88] : memref<2x96x128xf32, #tpu.memory_space<vmem>> -> memref<1x96x128xf32, #tpu.memory_space<vmem>>
    %dma_wait3A_90 = tpu.memref_squeeze %dma_wait3A_89 : memref<1x96x128xf32, #tpu.memory_space<vmem>> -> memref<96x128xf32, #tpu.memory_space<vmem>>
    %dma_wait3A_91 = arith.constant 288 : i32
    %dma_wait3A_92 = tpu.memref_slice %arg5[%dma_wait3A_91] : memref<576xi32, #tpu.memory_space<vmem>> -> memref<96xi32, #tpu.memory_space<vmem>>
    %dma_wait3A_93 = arith.constant 0 : i32
    %dma_wait3A_94 = arith.constant 0 : i32
    %dma_wait3A_95 = tpu.memref_slice %arg2[%dma_wait3A_93, %dma_wait3A_94] : memref<1024x128xf32, #tpu.memory_space<hbm>> -> memref<1024x128xf32, #tpu.memory_space<hbm>>
    tpu.wait_indirect_dma semaphore(%arg9 : memref<!tpu.dma_semaphore, #tpu.memory_space<semaphore_mem>>) src(%dma_wait3A_95 : memref<1024x128xf32, #tpu.memory_space<hbm>>) dst(%dma_wait3A_90 : memref<96x128xf32, #tpu.memory_space<vmem>>)
    %dma_start3A_96 = arith.constant 0 : i32
    %dma_start3A_97 = arith.constant 0 : i32
    %dma_start3A_98 = arith.constant 0 : i32
    %dma_start3A_99 = tpu.memref_slice %arg6[%dma_start3A_96, %dma_start3A_97, %dma_start3A_98] : memref<2x96x128xf32, #tpu.memory_space<vmem>> -> memref<1x96x128xf32, #tpu.memory_space<vmem>>
    %dma_start3A_100 = tpu.memref_squeeze %dma_start3A_99 : memref<1x96x128xf32, #tpu.memory_space<vmem>> -> memref<96x128xf32, #tpu.memory_space<vmem>>
    %dma_start3A_101 = arith.constant 384 : i32
    %dma_start3A_102 = tpu.memref_slice %arg5[%dma_start3A_101] : memref<576xi32, #tpu.memory_space<vmem>> -> memref<96xi32, #tpu.memory_space<vmem>>
    %dma_start3A_103 = arith.constant 0 : i32
    %dma_start3A_104 = arith.constant 0 : i32
    %dma_start3A_105 = tpu.memref_slice %arg2[%dma_start3A_103, %dma_start3A_104] : memref<1024x128xf32, #tpu.memory_space<hbm>> -> memref<1024x128xf32, #tpu.memory_space<hbm>>
    tpu.enqueue_indirect_dma source(%dma_start3A_105 : memref<1024x128xf32, #tpu.memory_space<hbm>>) target(%dma_start3A_100 : memref<96x128xf32, #tpu.memory_space<vmem>>) offsets(%dma_start3A_102 : memref<96xi32, #tpu.memory_space<vmem>>) semaphore(%arg8 : memref<!tpu.dma_semaphore, #tpu.memory_space<semaphore_mem>>)
    %scan3A_106 = arith.constant 0 : i32
    %scan3A_107 = arith.constant 0 : i32
    %scan3A_108 = arith.constant 96 : i32
    %scan3A_109 = arith.addi %scan3A_107, %scan3A_108 : i32
    %scan3A_110 = arith.constant 1 : i32
    scf.for %scan3A_154 = %scan3A_107 to %scan3A_109 step %scan3A_110  : i32 {
      %get3A = arith.constant 1 : i32
      %get3A_155 = arith.index_cast %get3A : i32 to index
      %get3A_156 = arith.index_cast %scan3A_154 : i32 to index
      %get3A_157 = arith.constant 0 : index
      %get3A_158 = tpu.vector_load %arg6[%get3A_155, %get3A_156, %get3A_157] {strides = array<i32>} : memref<2x96x128xf32, #tpu.memory_space<vmem>>, vector<1x1x16xf32>,
      %get3A_159 = vector.shape_cast %get3A_158 : vector<1x1x16xf32> to vector<16xf32>
      %add3A_160 = arith.constant 288 : i32
      %add3A_161 = arith.addi %add3A_160, %scan3A_154 : i32
      %swap3A = arith.index_cast %add3A_161 : i32 to index
      %swap3A_162 = arith.constant 0 : index
      %swap3A_163 = tpu.vector_load %arg7[%swap3A, %swap3A_162] {strides = array<i32>} : memref<576x64xf32, #tpu.memory_space<vmem>>, vector<1x16xf32>,
      %swap3A_164 = vector.shape_cast %swap3A_163 : vector<1x16xf32> to vector<16xf32>
      %swap3A_165 = vector.shape_cast %get3A_159 : vector<16xf32> to vector<1x16xf32>
      tpu.vector_store %arg7[%swap3A, %swap3A_162], %swap3A_165 {strides = array<i32>} : memref<576x64xf32, #tpu.memory_space<vmem>>, vector<1x16xf32>,
      %get3A_166 = arith.constant 1 : i32
      %get3A_167 = arith.index_cast %get3A_166 : i32 to index
      %get3A_168 = arith.index_cast %scan3A_154 : i32 to index
      %get3A_169 = arith.constant 16 : index
      %get3A_170 = tpu.vector_load %arg6[%get3A_167, %get3A_168, %get3A_169] {strides = array<i32>} : memref<2x96x128xf32, #tpu.memory_space<vmem>>, vector<1x1x16xf32>,
      %get3A_171 = vector.shape_cast %get3A_170 : vector<1x1x16xf32> to vector<16xf32>
      %add3A_172 = arith.constant 288 : i32
      %add3A_173 = arith.addi %add3A_172, %scan3A_154 : i32
      %swap3A_174 = arith.index_cast %add3A_173 : i32 to index
      %swap3A_175 = arith.constant 16 : index
      %swap3A_176 = tpu.vector_load %arg7[%swap3A_174, %swap3A_175] {strides = array<i32>} : memref<576x64xf32, #tpu.memory_space<vmem>>, vector<1x16xf32>,
      %swap3A_177 = vector.shape_cast %swap3A_176 : vector<1x16xf32> to vector<16xf32>
      %swap3A_178 = vector.shape_cast %get3A_171 : vector<16xf32> to vector<1x16xf32>
      tpu.vector_store %arg7[%swap3A_174, %swap3A_175], %swap3A_178 {strides = array<i32>} : memref<576x64xf32, #tpu.memory_space<vmem>>, vector<1x16xf32>,
      %get3A_179 = arith.constant 1 : i32
      %get3A_180 = arith.index_cast %get3A_179 : i32 to index
      %get3A_181 = arith.index_cast %scan3A_154 : i32 to index
      %get3A_182 = arith.constant 32 : index
      %get3A_183 = tpu.vector_load %arg6[%get3A_180, %get3A_181, %get3A_182] {strides = array<i32>} : memref<2x96x128xf32, #tpu.memory_space<vmem>>, vector<1x1x16xf32>,
      %get3A_184 = vector.shape_cast %get3A_183 : vector<1x1x16xf32> to vector<16xf32>
      %add3A_185 = arith.constant 288 : i32
      %add3A_186 = arith.addi %add3A_185, %scan3A_154 : i32
      %swap3A_187 = arith.index_cast %add3A_186 : i32 to index
      %swap3A_188 = arith.constant 32 : index
      %swap3A_189 = tpu.vector_load %arg7[%swap3A_187, %swap3A_188] {strides = array<i32>} : memref<576x64xf32, #tpu.memory_space<vmem>>, vector<1x16xf32>,
      %swap3A_190 = vector.shape_cast %swap3A_189 : vector<1x16xf32> to vector<16xf32>
      %swap3A_191 = vector.shape_cast %get3A_184 : vector<16xf32> to vector<1x16xf32>
      tpu.vector_store %arg7[%swap3A_187, %swap3A_188], %swap3A_191 {strides = array<i32>} : memref<576x64xf32, #tpu.memory_space<vmem>>, vector<1x16xf32>,
      %get3A_192 = arith.constant 1 : i32
      %get3A_193 = arith.index_cast %get3A_192 : i32 to index
      %get3A_194 = arith.index_cast %scan3A_154 : i32 to index
      %get3A_195 = arith.constant 48 : index
      %get3A_196 = tpu.vector_load %arg6[%get3A_193, %get3A_194, %get3A_195] {strides = array<i32>} : memref<2x96x128xf32, #tpu.memory_space<vmem>>, vector<1x1x16xf32>,
      %get3A_197 = vector.shape_cast %get3A_196 : vector<1x1x16xf32> to vector<16xf32>
      %add3A_198 = arith.constant 288 : i32
      %add3A_199 = arith.addi %add3A_198, %scan3A_154 : i32
      %swap3A_200 = arith.index_cast %add3A_199 : i32 to index
      %swap3A_201 = arith.constant 48 : index
      %swap3A_202 = tpu.vector_load %arg7[%swap3A_200, %swap3A_201] {strides = array<i32>} : memref<576x64xf32, #tpu.memory_space<vmem>>, vector<1x16xf32>,
      %swap3A_203 = vector.shape_cast %swap3A_202 : vector<1x16xf32> to vector<16xf32>
      %swap3A_204 = vector.shape_cast %get3A_197 : vector<16xf32> to vector<1x16xf32>
      tpu.vector_store %arg7[%swap3A_200, %swap3A_201], %swap3A_204 {strides = array<i32>} : memref<576x64xf32, #tpu.memory_space<vmem>>, vector<1x16xf32>,
    }
    %scan3A_111 = arith.constant 96 : i32
    %dma_wait3A_112 = arith.constant 0 : i32
    %dma_wait3A_113 = arith.constant 0 : i32
    %dma_wait3A_114 = arith.constant 0 : i32
    %dma_wait3A_115 = tpu.memref_slice %arg6[%dma_wait3A_112, %dma_wait3A_113, %dma_wait3A_114] : memref<2x96x128xf32, #tpu.memory_space<vmem>> -> memref<1x96x128xf32, #tpu.memory_space<vmem>>
    %dma_wait3A_116 = tpu.memref_squeeze %dma_wait3A_115 : memref<1x96x128xf32, #tpu.memory_space<vmem>> -> memref<96x128xf32, #tpu.memory_space<vmem>>
    %dma_wait3A_117 = arith.constant 384 : i32
    %dma_wait3A_118 = tpu.memref_slice %arg5[%dma_wait3A_117] : memref<576xi32, #tpu.memory_space<vmem>> -> memref<96xi32, #tpu.memory_space<vmem>>
    %dma_wait3A_119 = arith.constant 0 : i32
    %dma_wait3A_120 = arith.constant 0 : i32
    %dma_wait3A_121 = tpu.memref_slice %arg2[%dma_wait3A_119, %dma_wait3A_120] : memref<1024x128xf32, #tpu.memory_space<hbm>> -> memref<1024x128xf32, #tpu.memory_space<hbm>>
    tpu.wait_indirect_dma semaphore(%arg8 : memref<!tpu.dma_semaphore, #tpu.memory_space<semaphore_mem>>) src(%dma_wait3A_121 : memref<1024x128xf32, #tpu.memory_space<hbm>>) dst(%dma_wait3A_116 : memref<96x128xf32, #tpu.memory_space<vmem>>)
    %dma_start3A_122 = arith.constant 1 : i32
    %dma_start3A_123 = arith.constant 0 : i32
    %dma_start3A_124 = arith.constant 0 : i32
    %dma_start3A_125 = tpu.memref_slice %arg6[%dma_start3A_122, %dma_start3A_123, %dma_start3A_124] : memref<2x96x128xf32, #tpu.memory_space<vmem>> -> memref<1x96x128xf32, #tpu.memory_space<vmem>>
    %dma_start3A_126 = tpu.memref_squeeze %dma_start3A_125 : memref<1x96x128xf32, #tpu.memory_space<vmem>> -> memref<96x128xf32, #tpu.memory_space<vmem>>
    %dma_start3A_127 = arith.constant 480 : i32
    %dma_start3A_128 = tpu.memref_slice %arg5[%dma_start3A_127] : memref<576xi32, #tpu.memory_space<vmem>> -> memref<96xi32, #tpu.memory_space<vmem>>
    %dma_start3A_129 = arith.constant 0 : i32
    %dma_start3A_130 = arith.constant 0 : i32
    %dma_start3A_131 = tpu.memref_slice %arg2[%dma_start3A_129, %dma_start3A_130] : memref<1024x128xf32, #tpu.memory_space<hbm>> -> memref<1024x128xf32, #tpu.memory_space<hbm>>
    tpu.enqueue_indirect_dma source(%dma_start3A_131 : memref<1024x128xf32, #tpu.memory_space<hbm>>) target(%dma_start3A_126 : memref<96x128xf32, #tpu.memory_space<vmem>>) offsets(%dma_start3A_128 : memref<96xi32, #tpu.memory_space<vmem>>) semaphore(%arg9 : memref<!tpu.dma_semaphore, #tpu.memory_space<semaphore_mem>>)
    %scan3A_132 = arith.constant 0 : i32
    %scan3A_133 = arith.constant 0 : i32
    %scan3A_134 = arith.constant 96 : i32
    %scan3A_135 = arith.addi %scan3A_133, %scan3A_134 : i32
    %scan3A_136 = arith.constant 1 : i32
    scf.for %scan3A_154 = %scan3A_133 to %scan3A_135 step %scan3A_136  : i32 {
      %get3A = arith.constant 0 : i32
      %get3A_155 = arith.index_cast %get3A : i32 to index
      %get3A_156 = arith.index_cast %scan3A_154 : i32 to index
      %get3A_157 = arith.constant 0 : index
      %get3A_158 = tpu.vector_load %arg6[%get3A_155, %get3A_156, %get3A_157] {strides = array<i32>} : memref<2x96x128xf32, #tpu.memory_space<vmem>>, vector<1x1x16xf32>,
      %get3A_159 = vector.shape_cast %get3A_158 : vector<1x1x16xf32> to vector<16xf32>
      %add3A_160 = arith.constant 384 : i32
      %add3A_161 = arith.addi %add3A_160, %scan3A_154 : i32
      %swap3A = arith.index_cast %add3A_161 : i32 to index
      %swap3A_162 = arith.constant 0 : index
      %swap3A_163 = tpu.vector_load %arg7[%swap3A, %swap3A_162] {strides = array<i32>} : memref<576x64xf32, #tpu.memory_space<vmem>>, vector<1x16xf32>,
      %swap3A_164 = vector.shape_cast %swap3A_163 : vector<1x16xf32> to vector<16xf32>
      %swap3A_165 = vector.shape_cast %get3A_159 : vector<16xf32> to vector<1x16xf32>
      tpu.vector_store %arg7[%swap3A, %swap3A_162], %swap3A_165 {strides = array<i32>} : memref<576x64xf32, #tpu.memory_space<vmem>>, vector<1x16xf32>,
      %get3A_166 = arith.constant 0 : i32
      %get3A_167 = arith.index_cast %get3A_166 : i32 to index
      %get3A_168 = arith.index_cast %scan3A_154 : i32 to index
      %get3A_169 = arith.constant 16 : index
      %get3A_170 = tpu.vector_load %arg6[%get3A_167, %get3A_168, %get3A_169] {strides = array<i32>} : memref<2x96x128xf32, #tpu.memory_space<vmem>>, vector<1x1x16xf32>,
      %get3A_171 = vector.shape_cast %get3A_170 : vector<1x1x16xf32> to vector<16xf32>
      %add3A_172 = arith.constant 384 : i32
      %add3A_173 = arith.addi %add3A_172, %scan3A_154 : i32
      %swap3A_174 = arith.index_cast %add3A_173 : i32 to index
      %swap3A_175 = arith.constant 16 : index
      %swap3A_176 = tpu.vector_load %arg7[%swap3A_174, %swap3A_175] {strides = array<i32>} : memref<576x64xf32, #tpu.memory_space<vmem>>, vector<1x16xf32>,
      %swap3A_177 = vector.shape_cast %swap3A_176 : vector<1x16xf32> to vector<16xf32>
      %swap3A_178 = vector.shape_cast %get3A_171 : vector<16xf32> to vector<1x16xf32>
      tpu.vector_store %arg7[%swap3A_174, %swap3A_175], %swap3A_178 {strides = array<i32>} : memref<576x64xf32, #tpu.memory_space<vmem>>, vector<1x16xf32>,
      %get3A_179 = arith.constant 0 : i32
      %get3A_180 = arith.index_cast %get3A_179 : i32 to index
      %get3A_181 = arith.index_cast %scan3A_154 : i32 to index
      %get3A_182 = arith.constant 32 : index
      %get3A_183 = tpu.vector_load %arg6[%get3A_180, %get3A_181, %get3A_182] {strides = array<i32>} : memref<2x96x128xf32, #tpu.memory_space<vmem>>, vector<1x1x16xf32>,
      %get3A_184 = vector.shape_cast %get3A_183 : vector<1x1x16xf32> to vector<16xf32>
      %add3A_185 = arith.constant 384 : i32
      %add3A_186 = arith.addi %add3A_185, %scan3A_154 : i32
      %swap3A_187 = arith.index_cast %add3A_186 : i32 to index
      %swap3A_188 = arith.constant 32 : index
      %swap3A_189 = tpu.vector_load %arg7[%swap3A_187, %swap3A_188] {strides = array<i32>} : memref<576x64xf32, #tpu.memory_space<vmem>>, vector<1x16xf32>,
      %swap3A_190 = vector.shape_cast %swap3A_189 : vector<1x16xf32> to vector<16xf32>
      %swap3A_191 = vector.shape_cast %get3A_184 : vector<16xf32> to vector<1x16xf32>
      tpu.vector_store %arg7[%swap3A_187, %swap3A_188], %swap3A_191 {strides = array<i32>} : memref<576x64xf32, #tpu.memory_space<vmem>>, vector<1x16xf32>,
      %get3A_192 = arith.constant 0 : i32
      %get3A_193 = arith.index_cast %get3A_192 : i32 to index
      %get3A_194 = arith.index_cast %scan3A_154 : i32 to index
      %get3A_195 = arith.constant 48 : index
      %get3A_196 = tpu.vector_load %arg6[%get3A_193, %get3A_194, %get3A_195] {strides = array<i32>} : memref<2x96x128xf32, #tpu.memory_space<vmem>>, vector<1x1x16xf32>,
      %get3A_197 = vector.shape_cast %get3A_196 : vector<1x1x16xf32> to vector<16xf32>
      %add3A_198 = arith.constant 384 : i32
      %add3A_199 = arith.addi %add3A_198, %scan3A_154 : i32
      %swap3A_200 = arith.index_cast %add3A_199 : i32 to index
      %swap3A_201 = arith.constant 48 : index
      %swap3A_202 = tpu.vector_load %arg7[%swap3A_200, %swap3A_201] {strides = array<i32>} : memref<576x64xf32, #tpu.memory_space<vmem>>, vector<1x16xf32>,
      %swap3A_203 = vector.shape_cast %swap3A_202 : vector<1x16xf32> to vector<16xf32>
      %swap3A_204 = vector.shape_cast %get3A_197 : vector<16xf32> to vector<1x16xf32>
      tpu.vector_store %arg7[%swap3A_200, %swap3A_201], %swap3A_204 {strides = array<i32>} : memref<576x64xf32, #tpu.memory_space<vmem>>, vector<1x16xf32>,
    }
    %scan3A_137 = arith.constant 96 : i32
    %dma_wait3A_138 = arith.constant 1 : i32
    %dma_wait3A_139 = arith.constant 0 : i32
    %dma_wait3A_140 = arith.constant 0 : i32
    %dma_wait3A_141 = tpu.memref_slice %arg6[%dma_wait3A_138, %dma_wait3A_139, %dma_wait3A_140] : memref<2x96x128xf32, #tpu.memory_space<vmem>> -> memref<1x96x128xf32, #tpu.memory_space<vmem>>
    %dma_wait3A_142 = tpu.memref_squeeze %dma_wait3A_141 : memref<1x96x128xf32, #tpu.memory_space<vmem>> -> memref<96x128xf32, #tpu.memory_space<vmem>>
    %dma_wait3A_143 = arith.constant 480 : i32
    %dma_wait3A_144 = tpu.memref_slice %arg5[%dma_wait3A_143] : memref<576xi32, #tpu.memory_space<vmem>> -> memref<96xi32, #tpu.memory_space<vmem>>
    %dma_wait3A_145 = arith.constant 0 : i32
    %dma_wait3A_146 = arith.constant 0 : i32
    %dma_wait3A_147 = tpu.memref_slice %arg2[%dma_wait3A_145, %dma_wait3A_146] : memref<1024x128xf32, #tpu.memory_space<hbm>> -> memref<1024x128xf32, #tpu.memory_space<hbm>>
    tpu.wait_indirect_dma semaphore(%arg9 : memref<!tpu.dma_semaphore, #tpu.memory_space<semaphore_mem>>) src(%dma_wait3A_147 : memref<1024x128xf32, #tpu.memory_space<hbm>>) dst(%dma_wait3A_142 : memref<96x128xf32, #tpu.memory_space<vmem>>)
    %scan3A_148 = arith.constant 0 : i32
    %scan3A_149 = arith.constant 0 : i32
    %scan3A_150 = arith.constant 96 : i32
    %scan3A_151 = arith.addi %scan3A_149, %scan3A_150 : i32
    %scan3A_152 = arith.constant 1 : i32
    scf.for %scan3A_154 = %scan3A_149 to %scan3A_151 step %scan3A_152  : i32 {
      %get3A = arith.constant 1 : i32
      %get3A_155 = arith.index_cast %get3A : i32 to index
      %get3A_156 = arith.index_cast %scan3A_154 : i32 to index
      %get3A_157 = arith.constant 0 : index
      %get3A_158 = tpu.vector_load %arg6[%get3A_155, %get3A_156, %get3A_157] {strides = array<i32>} : memref<2x96x128xf32, #tpu.memory_space<vmem>>, vector<1x1x16xf32>,
      %get3A_159 = vector.shape_cast %get3A_158 : vector<1x1x16xf32> to vector<16xf32>
      %add3A_160 = arith.constant 480 : i32
      %add3A_161 = arith.addi %add3A_160, %scan3A_154 : i32
      %swap3A = arith.index_cast %add3A_161 : i32 to index
      %swap3A_162 = arith.constant 0 : index
      %swap3A_163 = tpu.vector_load %arg7[%swap3A, %swap3A_162] {strides = array<i32>} : memref<576x64xf32, #tpu.memory_space<vmem>>, vector<1x16xf32>,
      %swap3A_164 = vector.shape_cast %swap3A_163 : vector<1x16xf32> to vector<16xf32>
      %swap3A_165 = vector.shape_cast %get3A_159 : vector<16xf32> to vector<1x16xf32>
      tpu.vector_store %arg7[%swap3A, %swap3A_162], %swap3A_165 {strides = array<i32>} : memref<576x64xf32, #tpu.memory_space<vmem>>, vector<1x16xf32>,
      %get3A_166 = arith.constant 1 : i32
      %get3A_167 = arith.index_cast %get3A_166 : i32 to index
      %get3A_168 = arith.index_cast %scan3A_154 : i32 to index
      %get3A_169 = arith.constant 16 : index
      %get3A_170 = tpu.vector_load %arg6[%get3A_167, %get3A_168, %get3A_169] {strides = array<i32>} : memref<2x96x128xf32, #tpu.memory_space<vmem>>, vector<1x1x16xf32>,
      %get3A_171 = vector.shape_cast %get3A_170 : vector<1x1x16xf32> to vector<16xf32>
      %add3A_172 = arith.constant 480 : i32
      %add3A_173 = arith.addi %add3A_172, %scan3A_154 : i32
      %swap3A_174 = arith.index_cast %add3A_173 : i32 to index
      %swap3A_175 = arith.constant 16 : index
      %swap3A_176 = tpu.vector_load %arg7[%swap3A_174, %swap3A_175] {strides = array<i32>} : memref<576x64xf32, #tpu.memory_space<vmem>>, vector<1x16xf32>,
      %swap3A_177 = vector.shape_cast %swap3A_176 : vector<1x16xf32> to vector<16xf32>
      %swap3A_178 = vector.shape_cast %get3A_171 : vector<16xf32> to vector<1x16xf32>
      tpu.vector_store %arg7[%swap3A_174, %swap3A_175], %swap3A_178 {strides = array<i32>} : memref<576x64xf32, #tpu.memory_space<vmem>>, vector<1x16xf32>,
      %get3A_179 = arith.constant 1 : i32
      %get3A_180 = arith.index_cast %get3A_179 : i32 to index
      %get3A_181 = arith.index_cast %scan3A_154 : i32 to index
      %get3A_182 = arith.constant 32 : index
      %get3A_183 = tpu.vector_load %arg6[%get3A_180, %get3A_181, %get3A_182] {strides = array<i32>} : memref<2x96x128xf32, #tpu.memory_space<vmem>>, vector<1x1x16xf32>,
      %get3A_184 = vector.shape_cast %get3A_183 : vector<1x1x16xf32> to vector<16xf32>
      %add3A_185 = arith.constant 480 : i32
      %add3A_186 = arith.addi %add3A_185, %scan3A_154 : i32
      %swap3A_187 = arith.index_cast %add3A_186 : i32 to index
      %swap3A_188 = arith.constant 32 : index
      %swap3A_189 = tpu.vector_load %arg7[%swap3A_187, %swap3A_188] {strides = array<i32>} : memref<576x64xf32, #tpu.memory_space<vmem>>, vector<1x16xf32>,
      %swap3A_190 = vector.shape_cast %swap3A_189 : vector<1x16xf32> to vector<16xf32>
      %swap3A_191 = vector.shape_cast %get3A_184 : vector<16xf32> to vector<1x16xf32>
      tpu.vector_store %arg7[%swap3A_187, %swap3A_188], %swap3A_191 {strides = array<i32>} : memref<576x64xf32, #tpu.memory_space<vmem>>, vector<1x16xf32>,
      %get3A_192 = arith.constant 1 : i32
      %get3A_193 = arith.index_cast %get3A_192 : i32 to index
      %get3A_194 = arith.index_cast %scan3A_154 : i32 to index
      %get3A_195 = arith.constant 48 : index
      %get3A_196 = tpu.vector_load %arg6[%get3A_193, %get3A_194, %get3A_195] {strides = array<i32>} : memref<2x96x128xf32, #tpu.memory_space<vmem>>, vector<1x1x16xf32>,
      %get3A_197 = vector.shape_cast %get3A_196 : vector<1x1x16xf32> to vector<16xf32>
      %add3A_198 = arith.constant 480 : i32
      %add3A_199 = arith.addi %add3A_198, %scan3A_154 : i32
      %swap3A_200 = arith.index_cast %add3A_199 : i32 to index
      %swap3A_201 = arith.constant 48 : index
      %swap3A_202 = tpu.vector_load %arg7[%swap3A_200, %swap3A_201] {strides = array<i32>} : memref<576x64xf32, #tpu.memory_space<vmem>>, vector<1x16xf32>,
      %swap3A_203 = vector.shape_cast %swap3A_202 : vector<1x16xf32> to vector<16xf32>
      %swap3A_204 = vector.shape_cast %get3A_197 : vector<16xf32> to vector<1x16xf32>
      tpu.vector_store %arg7[%swap3A_200, %swap3A_201], %swap3A_204 {strides = array<i32>} : memref<576x64xf32, #tpu.memory_space<vmem>>, vector<1x16xf32>,
    }
    %scan3A_153 = arith.constant 96 : i32
    "tpu.region"() ({
      %run_scoped3A = tpu.sem_alloc : memref<!tpu.dma_semaphore, #tpu.memory_space<semaphore_mem>>
      %dma_start3A_154 = arith.constant 0 : i32
      %dma_start3A_155 = arith.constant 0 : i32
      %dma_start3A_156 = tpu.memref_slice %arg4[%add3A, %dma_start3A_154, %dma_start3A_155] : memref<32x576x64xf32, #tpu.memory_space<hbm>> -> memref<1x576x64xf32, #tpu.memory_space<hbm>>
      %dma_start3A_157 = tpu.memref_squeeze %dma_start3A_156 : memref<1x576x64xf32, #tpu.memory_space<hbm>> -> memref<576x64xf32, #tpu.memory_space<hbm>>
      %dma_start3A_158 = arith.constant 0 : i32
      %dma_start3A_159 = arith.constant 0 : i32
      %dma_start3A_160 = tpu.memref_slice %arg4[%add3A, %dma_start3A_158, %dma_start3A_159] : memref<32x576x64xf32, #tpu.memory_space<hbm>> -> memref<1x576x64xf32, #tpu.memory_space<hbm>>
      %dma_start3A_161 = tpu.memref_squeeze %dma_start3A_160 : memref<1x576x64xf32, #tpu.memory_space<hbm>> -> memref<576x64xf32, #tpu.memory_space<hbm>>
      tpu.enqueue_dma source(%arg7 : memref<576x64xf32, #tpu.memory_space<vmem>>) target(%dma_start3A_161 : memref<576x64xf32, #tpu.memory_space<hbm>>) target_semaphore(%run_scoped3A : memref<!tpu.dma_semaphore, #tpu.memory_space<semaphore_mem>>)
      %dma_wait3A_162 = arith.constant 0 : i32
      %dma_wait3A_163 = arith.constant 0 : i32
      %dma_wait3A_164 = tpu.memref_slice %arg4[%add3A, %dma_wait3A_162, %dma_wait3A_163] : memref<32x576x64xf32, #tpu.memory_space<hbm>> -> memref<1x576x64xf32, #tpu.memory_space<hbm>>
      %dma_wait3A_165 = tpu.memref_squeeze %dma_wait3A_164 : memref<1x576x64xf32, #tpu.memory_space<hbm>> -> memref<576x64xf32, #tpu.memory_space<hbm>>
      %dma_wait3A_166 = arith.constant 0 : i32
      %dma_wait3A_167 = arith.constant 0 : i32
      %dma_wait3A_168 = tpu.memref_slice %arg4[%add3A, %dma_wait3A_166, %dma_wait3A_167] : memref<32x576x64xf32, #tpu.memory_space<hbm>> -> memref<1x576x64xf32, #tpu.memory_space<hbm>>
      %dma_wait3A_169 = tpu.memref_squeeze %dma_wait3A_168 : memref<1x576x64xf32, #tpu.memory_space<hbm>> -> memref<576x64xf32, #tpu.memory_space<hbm>>
      tpu.wait_dma2 semaphore(%run_scoped3A : memref<!tpu.dma_semaphore, #tpu.memory_space<semaphore_mem>>) src(%arg7 : memref<576x64xf32, #tpu.memory_space<vmem>>) dst(%dma_wait3A_169 : memref<576x64xf32, #tpu.memory_space<hbm>>)
      tpu.yield
    }) : () -> ()
    return
  }
}

module attributes {stable_mosaic.version = 14 : i64} {
  func.func @_argmin_body(%arg0: i32, %arg1: memref<1x4608xf32, #tpu.memory_space<vmem>>, %arg2: memref<1024x1xf32, #tpu.memory_space<vmem>>, %arg3: memref<8x576x64xf32, #tpu.memory_space<vmem>>, %arg4: memref<1024x64xf32, #tpu.memory_space<vmem>>, %arg5: memref<1x4608xi32, #tpu.memory_space<vmem>>) attributes {dimension_semantics = [#tpu.dimension_semantics<arbitrary>], iteration_bounds = array<i64: 4>, scalar_prefetch = 0 : i64, scratch_operands = 0 : i64, tpu.core_type = #tpu.core_type<tc>, window_params = [{transform_indices = @transform_0, window_bounds = array<i64: 1, 4608>}, {pipeline_mode = #tpu.pipeline_mode<synchronous>, transform_indices = @transform_1, window_bounds = array<i64: 1024, 1>}, {transform_indices = @transform_2, window_bounds = array<i64: 8, 576, 64>}, {pipeline_mode = #tpu.pipeline_mode<synchronous>, transform_indices = @transform_3, window_bounds = array<i64: 1024, 64>}, {transform_indices = @transform_4, window_bounds = array<i64: 1, 4608>}]} {
    %get3A = arith.constant 0 : index
    %get3A_0 = arith.constant 0 : index
    %get3A_1 = arith.constant 0 : index
    %get3A_2 = vector.load %arg3[%get3A, %get3A_0, %get3A_1] : memref<8x576x64xf32, #tpu.memory_space<vmem>>, vector<8x576x64xf32>
    %reshape3A = vector.shape_cast %get3A_2 : vector<8x576x64xf32> to vector<4608x64xf32>
    %get3A_3 = arith.constant 0 : index
    %get3A_4 = arith.constant 0 : index
    %get3A_5 = vector.load %arg1[%get3A_3, %get3A_4] : memref<1x4608xf32, #tpu.memory_space<vmem>>, vector<1x4608xf32>
    %get3A_6 = arith.constant 0 : index
    %get3A_7 = arith.constant 0 : index
    %get3A_8 = vector.load %arg4[%get3A_6, %get3A_7] : memref<1024x64xf32, #tpu.memory_space<vmem>>, vector<128x64xf32>
    %dot_general3A = arith.constant dense<0.000000e+00> : vector<128x4608xf32>
    %dot_general3A_9 = tpu.matmul %get3A_8, %reshape3A, %dot_general3A {dimension_numbers = #tpu.dot_dimension_numbers<[1], [1], [0], [0], [0, 0, 1, 0], [], []>, transpose_lhs_hint = false} : vector<128x64xf32>, vector<4608x64xf32>, vector<128x4608xf32> -> vector<128x4608xf32>
    %mul3A = arith.constant 2.000000e+00 : f32
    %mul3A_10 = vector.broadcast %mul3A : f32 to vector<128x4608xf32>
    %mul3A_11 = arith.mulf %mul3A_10, %dot_general3A_9 : vector<128x4608xf32>
    %sub3A = vector.broadcast %get3A_5 : vector<1x4608xf32> to vector<128x4608xf32>
    %sub3A_12 = arith.subf %sub3A, %mul3A_11 : vector<128x4608xf32>
    %get3A_13 = arith.constant 0 : index
    %get3A_14 = arith.constant 0 : index
    %get3A_15 = vector.load %arg2[%get3A_13, %get3A_14] : memref<1024x1xf32, #tpu.memory_space<vmem>>, vector<128x1xf32>
    %add3A = vector.broadcast %get3A_15 : vector<128x1xf32> to vector<128x4608xf32>
    %add3A_16 = arith.addf %sub3A_12, %add3A : vector<128x4608xf32>
    %iota3A = tpu.iota {dimensions = array<i32: 0>} : vector<128x4608xi32>
    %add3A_17 = arith.constant 0 : i32
    %add3A_18 = vector.broadcast %add3A_17 : i32 to vector<128x4608xi32>
    %add3A_19 = arith.addi %iota3A, %add3A_18 : vector<128x4608xi32>
    %get3A_20 = arith.constant 128 : index
    %get3A_21 = arith.constant 0 : index
    %get3A_22 = vector.load %arg4[%get3A_20, %get3A_21] : memref<1024x64xf32, #tpu.memory_space<vmem>>, vector<128x64xf32>
    %dot_general3A_23 = arith.constant dense<0.000000e+00> : vector<128x4608xf32>
    %dot_general3A_24 = tpu.matmul %get3A_22, %reshape3A, %dot_general3A_23 {dimension_numbers = #tpu.dot_dimension_numbers<[1], [1], [0], [0], [0, 0, 1, 0], [], []>, transpose_lhs_hint = false} : vector<128x64xf32>, vector<4608x64xf32>, vector<128x4608xf32> -> vector<128x4608xf32>
    %mul3A_25 = arith.constant 2.000000e+00 : f32
    %mul3A_26 = vector.broadcast %mul3A_25 : f32 to vector<128x4608xf32>
    %mul3A_27 = arith.mulf %mul3A_26, %dot_general3A_24 : vector<128x4608xf32>
    %sub3A_28 = vector.broadcast %get3A_5 : vector<1x4608xf32> to vector<128x4608xf32>
    %sub3A_29 = arith.subf %sub3A_28, %mul3A_27 : vector<128x4608xf32>
    %get3A_30 = arith.constant 128 : index
    %get3A_31 = arith.constant 0 : index
    %get3A_32 = vector.load %arg2[%get3A_30, %get3A_31] : memref<1024x1xf32, #tpu.memory_space<vmem>>, vector<128x1xf32>
    %add3A_33 = vector.broadcast %get3A_32 : vector<128x1xf32> to vector<128x4608xf32>
    %add3A_34 = arith.addf %sub3A_29, %add3A_33 : vector<128x4608xf32>
    %iota3A_35 = tpu.iota {dimensions = array<i32: 0>} : vector<128x4608xi32>
    %add3A_36 = arith.constant 128 : i32
    %add3A_37 = vector.broadcast %add3A_36 : i32 to vector<128x4608xi32>
    %add3A_38 = arith.addi %iota3A_35, %add3A_37 : vector<128x4608xi32>
    %lt3A = arith.cmpf olt, %add3A_34, %add3A_16 : vector<128x4608xf32>
    %select_n3A = arith.select %lt3A, %add3A_34, %add3A_16 : vector<128x4608xi1>, vector<128x4608xf32>
    %select_n3A_39 = arith.select %lt3A, %add3A_38, %add3A_19 : vector<128x4608xi1>, vector<128x4608xi32>
    %get3A_40 = arith.constant 256 : index
    %get3A_41 = arith.constant 0 : index
    %get3A_42 = vector.load %arg4[%get3A_40, %get3A_41] : memref<1024x64xf32, #tpu.memory_space<vmem>>, vector<128x64xf32>
    %dot_general3A_43 = arith.constant dense<0.000000e+00> : vector<128x4608xf32>
    %dot_general3A_44 = tpu.matmul %get3A_42, %reshape3A, %dot_general3A_43 {dimension_numbers = #tpu.dot_dimension_numbers<[1], [1], [0], [0], [0, 0, 1, 0], [], []>, transpose_lhs_hint = false} : vector<128x64xf32>, vector<4608x64xf32>, vector<128x4608xf32> -> vector<128x4608xf32>
    %mul3A_45 = arith.constant 2.000000e+00 : f32
    %mul3A_46 = vector.broadcast %mul3A_45 : f32 to vector<128x4608xf32>
    %mul3A_47 = arith.mulf %mul3A_46, %dot_general3A_44 : vector<128x4608xf32>
    %sub3A_48 = vector.broadcast %get3A_5 : vector<1x4608xf32> to vector<128x4608xf32>
    %sub3A_49 = arith.subf %sub3A_48, %mul3A_47 : vector<128x4608xf32>
    %get3A_50 = arith.constant 256 : index
    %get3A_51 = arith.constant 0 : index
    %get3A_52 = vector.load %arg2[%get3A_50, %get3A_51] : memref<1024x1xf32, #tpu.memory_space<vmem>>, vector<128x1xf32>
    %add3A_53 = vector.broadcast %get3A_52 : vector<128x1xf32> to vector<128x4608xf32>
    %add3A_54 = arith.addf %sub3A_49, %add3A_53 : vector<128x4608xf32>
    %iota3A_55 = tpu.iota {dimensions = array<i32: 0>} : vector<128x4608xi32>
    %add3A_56 = arith.constant 256 : i32
    %add3A_57 = vector.broadcast %add3A_56 : i32 to vector<128x4608xi32>
    %add3A_58 = arith.addi %iota3A_55, %add3A_57 : vector<128x4608xi32>
    %lt3A_59 = arith.cmpf olt, %add3A_54, %select_n3A : vector<128x4608xf32>
    %select_n3A_60 = arith.select %lt3A_59, %add3A_54, %select_n3A : vector<128x4608xi1>, vector<128x4608xf32>
    %select_n3A_61 = arith.select %lt3A_59, %add3A_58, %select_n3A_39 : vector<128x4608xi1>, vector<128x4608xi32>
    %get3A_62 = arith.constant 384 : index
    %get3A_63 = arith.constant 0 : index
    %get3A_64 = vector.load %arg4[%get3A_62, %get3A_63] : memref<1024x64xf32, #tpu.memory_space<vmem>>, vector<128x64xf32>
    %dot_general3A_65 = arith.constant dense<0.000000e+00> : vector<128x4608xf32>
    %dot_general3A_66 = tpu.matmul %get3A_64, %reshape3A, %dot_general3A_65 {dimension_numbers = #tpu.dot_dimension_numbers<[1], [1], [0], [0], [0, 0, 1, 0], [], []>, transpose_lhs_hint = false} : vector<128x64xf32>, vector<4608x64xf32>, vector<128x4608xf32> -> vector<128x4608xf32>
    %mul3A_67 = arith.constant 2.000000e+00 : f32
    %mul3A_68 = vector.broadcast %mul3A_67 : f32 to vector<128x4608xf32>
    %mul3A_69 = arith.mulf %mul3A_68, %dot_general3A_66 : vector<128x4608xf32>
    %sub3A_70 = vector.broadcast %get3A_5 : vector<1x4608xf32> to vector<128x4608xf32>
    %sub3A_71 = arith.subf %sub3A_70, %mul3A_69 : vector<128x4608xf32>
    %get3A_72 = arith.constant 384 : index
    %get3A_73 = arith.constant 0 : index
    %get3A_74 = vector.load %arg2[%get3A_72, %get3A_73] : memref<1024x1xf32, #tpu.memory_space<vmem>>, vector<128x1xf32>
    %add3A_75 = vector.broadcast %get3A_74 : vector<128x1xf32> to vector<128x4608xf32>
    %add3A_76 = arith.addf %sub3A_71, %add3A_75 : vector<128x4608xf32>
    %iota3A_77 = tpu.iota {dimensions = array<i32: 0>} : vector<128x4608xi32>
    %add3A_78 = arith.constant 384 : i32
    %add3A_79 = vector.broadcast %add3A_78 : i32 to vector<128x4608xi32>
    %add3A_80 = arith.addi %iota3A_77, %add3A_79 : vector<128x4608xi32>
    %lt3A_81 = arith.cmpf olt, %add3A_76, %select_n3A_60 : vector<128x4608xf32>
    %select_n3A_82 = arith.select %lt3A_81, %add3A_76, %select_n3A_60 : vector<128x4608xi1>, vector<128x4608xf32>
    %select_n3A_83 = arith.select %lt3A_81, %add3A_80, %select_n3A_61 : vector<128x4608xi1>, vector<128x4608xi32>
    %get3A_84 = arith.constant 512 : index
    %get3A_85 = arith.constant 0 : index
    %get3A_86 = vector.load %arg4[%get3A_84, %get3A_85] : memref<1024x64xf32, #tpu.memory_space<vmem>>, vector<128x64xf32>
    %dot_general3A_87 = arith.constant dense<0.000000e+00> : vector<128x4608xf32>
    %dot_general3A_88 = tpu.matmul %get3A_86, %reshape3A, %dot_general3A_87 {dimension_numbers = #tpu.dot_dimension_numbers<[1], [1], [0], [0], [0, 0, 1, 0], [], []>, transpose_lhs_hint = false} : vector<128x64xf32>, vector<4608x64xf32>, vector<128x4608xf32> -> vector<128x4608xf32>
    %mul3A_89 = arith.constant 2.000000e+00 : f32
    %mul3A_90 = vector.broadcast %mul3A_89 : f32 to vector<128x4608xf32>
    %mul3A_91 = arith.mulf %mul3A_90, %dot_general3A_88 : vector<128x4608xf32>
    %sub3A_92 = vector.broadcast %get3A_5 : vector<1x4608xf32> to vector<128x4608xf32>
    %sub3A_93 = arith.subf %sub3A_92, %mul3A_91 : vector<128x4608xf32>
    %get3A_94 = arith.constant 512 : index
    %get3A_95 = arith.constant 0 : index
    %get3A_96 = vector.load %arg2[%get3A_94, %get3A_95] : memref<1024x1xf32, #tpu.memory_space<vmem>>, vector<128x1xf32>
    %add3A_97 = vector.broadcast %get3A_96 : vector<128x1xf32> to vector<128x4608xf32>
    %add3A_98 = arith.addf %sub3A_93, %add3A_97 : vector<128x4608xf32>
    %iota3A_99 = tpu.iota {dimensions = array<i32: 0>} : vector<128x4608xi32>
    %add3A_100 = arith.constant 512 : i32
    %add3A_101 = vector.broadcast %add3A_100 : i32 to vector<128x4608xi32>
    %add3A_102 = arith.addi %iota3A_99, %add3A_101 : vector<128x4608xi32>
    %lt3A_103 = arith.cmpf olt, %add3A_98, %select_n3A_82 : vector<128x4608xf32>
    %select_n3A_104 = arith.select %lt3A_103, %add3A_98, %select_n3A_82 : vector<128x4608xi1>, vector<128x4608xf32>
    %select_n3A_105 = arith.select %lt3A_103, %add3A_102, %select_n3A_83 : vector<128x4608xi1>, vector<128x4608xi32>
    %get3A_106 = arith.constant 640 : index
    %get3A_107 = arith.constant 0 : index
    %get3A_108 = vector.load %arg4[%get3A_106, %get3A_107] : memref<1024x64xf32, #tpu.memory_space<vmem>>, vector<128x64xf32>
    %dot_general3A_109 = arith.constant dense<0.000000e+00> : vector<128x4608xf32>
    %dot_general3A_110 = tpu.matmul %get3A_108, %reshape3A, %dot_general3A_109 {dimension_numbers = #tpu.dot_dimension_numbers<[1], [1], [0], [0], [0, 0, 1, 0], [], []>, transpose_lhs_hint = false} : vector<128x64xf32>, vector<4608x64xf32>, vector<128x4608xf32> -> vector<128x4608xf32>
    %mul3A_111 = arith.constant 2.000000e+00 : f32
    %mul3A_112 = vector.broadcast %mul3A_111 : f32 to vector<128x4608xf32>
    %mul3A_113 = arith.mulf %mul3A_112, %dot_general3A_110 : vector<128x4608xf32>
    %sub3A_114 = vector.broadcast %get3A_5 : vector<1x4608xf32> to vector<128x4608xf32>
    %sub3A_115 = arith.subf %sub3A_114, %mul3A_113 : vector<128x4608xf32>
    %get3A_116 = arith.constant 640 : index
    %get3A_117 = arith.constant 0 : index
    %get3A_118 = vector.load %arg2[%get3A_116, %get3A_117] : memref<1024x1xf32, #tpu.memory_space<vmem>>, vector<128x1xf32>
    %add3A_119 = vector.broadcast %get3A_118 : vector<128x1xf32> to vector<128x4608xf32>
    %add3A_120 = arith.addf %sub3A_115, %add3A_119 : vector<128x4608xf32>
    %iota3A_121 = tpu.iota {dimensions = array<i32: 0>} : vector<128x4608xi32>
    %add3A_122 = arith.constant 640 : i32
    %add3A_123 = vector.broadcast %add3A_122 : i32 to vector<128x4608xi32>
    %add3A_124 = arith.addi %iota3A_121, %add3A_123 : vector<128x4608xi32>
    %lt3A_125 = arith.cmpf olt, %add3A_120, %select_n3A_104 : vector<128x4608xf32>
    %select_n3A_126 = arith.select %lt3A_125, %add3A_120, %select_n3A_104 : vector<128x4608xi1>, vector<128x4608xf32>
    %select_n3A_127 = arith.select %lt3A_125, %add3A_124, %select_n3A_105 : vector<128x4608xi1>, vector<128x4608xi32>
    %get3A_128 = arith.constant 768 : index
    %get3A_129 = arith.constant 0 : index
    %get3A_130 = vector.load %arg4[%get3A_128, %get3A_129] : memref<1024x64xf32, #tpu.memory_space<vmem>>, vector<128x64xf32>
    %dot_general3A_131 = arith.constant dense<0.000000e+00> : vector<128x4608xf32>
    %dot_general3A_132 = tpu.matmul %get3A_130, %reshape3A, %dot_general3A_131 {dimension_numbers = #tpu.dot_dimension_numbers<[1], [1], [0], [0], [0, 0, 1, 0], [], []>, transpose_lhs_hint = false} : vector<128x64xf32>, vector<4608x64xf32>, vector<128x4608xf32> -> vector<128x4608xf32>
    %mul3A_133 = arith.constant 2.000000e+00 : f32
    %mul3A_134 = vector.broadcast %mul3A_133 : f32 to vector<128x4608xf32>
    %mul3A_135 = arith.mulf %mul3A_134, %dot_general3A_132 : vector<128x4608xf32>
    %sub3A_136 = vector.broadcast %get3A_5 : vector<1x4608xf32> to vector<128x4608xf32>
    %sub3A_137 = arith.subf %sub3A_136, %mul3A_135 : vector<128x4608xf32>
    %get3A_138 = arith.constant 768 : index
    %get3A_139 = arith.constant 0 : index
    %get3A_140 = vector.load %arg2[%get3A_138, %get3A_139] : memref<1024x1xf32, #tpu.memory_space<vmem>>, vector<128x1xf32>
    %add3A_141 = vector.broadcast %get3A_140 : vector<128x1xf32> to vector<128x4608xf32>
    %add3A_142 = arith.addf %sub3A_137, %add3A_141 : vector<128x4608xf32>
    %iota3A_143 = tpu.iota {dimensions = array<i32: 0>} : vector<128x4608xi32>
    %add3A_144 = arith.constant 768 : i32
    %add3A_145 = vector.broadcast %add3A_144 : i32 to vector<128x4608xi32>
    %add3A_146 = arith.addi %iota3A_143, %add3A_145 : vector<128x4608xi32>
    %lt3A_147 = arith.cmpf olt, %add3A_142, %select_n3A_126 : vector<128x4608xf32>
    %select_n3A_148 = arith.select %lt3A_147, %add3A_142, %select_n3A_126 : vector<128x4608xi1>, vector<128x4608xf32>
    %select_n3A_149 = arith.select %lt3A_147, %add3A_146, %select_n3A_127 : vector<128x4608xi1>, vector<128x4608xi32>
    %get3A_150 = arith.constant 896 : index
    %get3A_151 = arith.constant 0 : index
    %get3A_152 = vector.load %arg4[%get3A_150, %get3A_151] : memref<1024x64xf32, #tpu.memory_space<vmem>>, vector<128x64xf32>
    %dot_general3A_153 = arith.constant dense<0.000000e+00> : vector<128x4608xf32>
    %dot_general3A_154 = tpu.matmul %get3A_152, %reshape3A, %dot_general3A_153 {dimension_numbers = #tpu.dot_dimension_numbers<[1], [1], [0], [0], [0, 0, 1, 0], [], []>, transpose_lhs_hint = false} : vector<128x64xf32>, vector<4608x64xf32>, vector<128x4608xf32> -> vector<128x4608xf32>
    %mul3A_155 = arith.constant 2.000000e+00 : f32
    %mul3A_156 = vector.broadcast %mul3A_155 : f32 to vector<128x4608xf32>
    %mul3A_157 = arith.mulf %mul3A_156, %dot_general3A_154 : vector<128x4608xf32>
    %sub3A_158 = vector.broadcast %get3A_5 : vector<1x4608xf32> to vector<128x4608xf32>
    %sub3A_159 = arith.subf %sub3A_158, %mul3A_157 : vector<128x4608xf32>
    %get3A_160 = arith.constant 896 : index
    %get3A_161 = arith.constant 0 : index
    %get3A_162 = vector.load %arg2[%get3A_160, %get3A_161] : memref<1024x1xf32, #tpu.memory_space<vmem>>, vector<128x1xf32>
    %add3A_163 = vector.broadcast %get3A_162 : vector<128x1xf32> to vector<128x4608xf32>
    %add3A_164 = arith.addf %sub3A_159, %add3A_163 : vector<128x4608xf32>
    %iota3A_165 = tpu.iota {dimensions = array<i32: 0>} : vector<128x4608xi32>
    %add3A_166 = arith.constant 896 : i32
    %add3A_167 = vector.broadcast %add3A_166 : i32 to vector<128x4608xi32>
    %add3A_168 = arith.addi %iota3A_165, %add3A_167 : vector<128x4608xi32>
    %lt3A_169 = arith.cmpf olt, %add3A_164, %select_n3A_148 : vector<128x4608xf32>
    %select_n3A_170 = arith.select %lt3A_169, %add3A_164, %select_n3A_148 : vector<128x4608xi1>, vector<128x4608xf32>
    %select_n3A_171 = arith.select %lt3A_169, %add3A_168, %select_n3A_149 : vector<128x4608xi1>, vector<128x4608xi32>
    %reduce_min3A = arith.constant dense<0x7F800000> : vector<4608xf32>
    %reduce_min3A_172 = vector.multi_reduction <minimumf>, %select_n3A_170, %reduce_min3A [0] : vector<128x4608xf32> to vector<4608xf32>
    %broadcast_in_dim3A = vector.shape_cast %reduce_min3A_172 : vector<4608xf32> to vector<1x4608xf32>
    %eq3A = vector.broadcast %broadcast_in_dim3A : vector<1x4608xf32> to vector<128x4608xf32>
    %eq3A_173 = arith.cmpf oeq, %select_n3A_170, %eq3A : vector<128x4608xf32>
    %jit3A = arith.constant 1024 : i32
    %broadcast_in_dim3A_174 = vector.broadcast %jit3A : i32 to vector<128x4608xi32>
    %select_n3A_175 = arith.select %eq3A_173, %select_n3A_171, %broadcast_in_dim3A_174 : vector<128x4608xi1>, vector<128x4608xi32>
    %reduce_min3A_176 = arith.constant dense<2147483647> : vector<4608xi32>
    %reduce_min3A_177 = vector.multi_reduction <minsi>, %select_n3A_175, %reduce_min3A_176 [0] : vector<128x4608xi32> to vector<4608xi32>
    %reshape3A_178 = vector.shape_cast %reduce_min3A_177 : vector<4608xi32> to vector<1x4608xi32>
    %swap3A = arith.constant 0 : index
    %swap3A_179 = arith.constant 0 : index
    %swap3A_180 = vector.load %arg5[%swap3A, %swap3A_179] : memref<1x4608xi32, #tpu.memory_space<vmem>>, vector<1x4608xi32>
    tpu.vector_store %arg5[%swap3A, %swap3A_179], %reshape3A_178 {strides = array<i32>} : memref<1x4608xi32, #tpu.memory_space<vmem>>, vector<1x4608xi32>,
    return
  }
  func.func @transform_0(%arg0: i32) -> (i32, i32) {
    %c0_i32 = arith.constant 0 : i32
    %c0_i32_0 = arith.constant 0 : i32
    return %c0_i32, %arg0 : i32, i32
  }
  func.func @transform_1(%arg0: i32) -> (i32, i32) {
    %c0_i32 = arith.constant 0 : i32
    %c0_i32_0 = arith.constant 0 : i32
    %c0_i32_1 = arith.constant 0 : i32
    return %c0_i32, %c0_i32_0 : i32, i32
  }
  func.func @transform_2(%arg0: i32) -> (i32, i32, i32) {
    %c0_i32 = arith.constant 0 : i32
    %c0_i32_0 = arith.constant 0 : i32
    %c0_i32_1 = arith.constant 0 : i32
    return %arg0, %c0_i32, %c0_i32_0 : i32, i32, i32
  }
  func.func @transform_3(%arg0: i32) -> (i32, i32) {
    %c0_i32 = arith.constant 0 : i32
    %c0_i32_0 = arith.constant 0 : i32
    %c0_i32_1 = arith.constant 0 : i32
    return %c0_i32, %c0_i32_0 : i32, i32
  }
  func.func @transform_4(%arg0: i32) -> (i32, i32) {
    %c0_i32 = arith.constant 0 : i32
    %c0_i32_0 = arith.constant 0 : i32
    return %c0_i32, %arg0 : i32, i32
  }
}

</mosaic_0001>

<sc_bundles>
// kernel: kernel.4.cloned.1.call-start
scs
__scs_entry_jumppad:
0x0: {  	(pc) =	sbr.rel $0x88, $3  }
0x1: {  	(tag) =	ssettag $0x0;
	lr =	simm.s32 $0x1  }
0x2: {  	[smem:$0x3F9F] =	sst lr;
	_ =	strace $0xD0000000  }
0x3: {  	_ = 	snop  }
0x4: {  	_ = 	snop  }
0x5: {  	_ = 	snop  }
0x6: {  	_ = 	snop  }
0x7: {  	_ = 	snop  }
__scs_overlays_trampoline_lowered:
0x8: {  	[smem:$0x3FAE] =	sst s0  }
0x9: {  	[smem:$0x3FAF] =	sst s1  }
0xa: {  	[smem:$0x3FB0] =	sst s2  }
0xb: {  	[smem:$0x3FB1] =	sst s3  }
0xc: {  	[smem:$0x3FB2] =	sst s4  }
0xd: {  	[smem:$0x3FB3] =	sst s5  }
0xe: {  	[smem:$0x3FB4] =	sst s6  }
0xf: {  	[smem:$0x3FB5] =	sst s7  }
0x10: {  	[smem:$0x3FB6] =	sst s8  }
0x11: {  	[smem:$0x3FB7] =	sst s9;
	s0 =	simm.s32 @!p0 $0x0  }
0x12: {  	s1 =	sld [smem:$0x3F9D];
	s0 =	simm.s32 @p0 $0x1  }
0x13: {  	[smem:$0x3FB8] =	sst s0;
	s0 =	simm.s32 @!p1 $0x0  }
0x14: {  	s2 =	sld [smem:$0x3F9C];
	s0 =	simm.s32 @p1 $0x1  }
0x15: {  	[smem:$0x3FB9] =	sst s0;
	s0 =	simm.s32 @!p2 $0x0  }
0x16: {  	s3 =	sld [smem:$0x3FDB];
	s0 =	simm.s32 @p2 $0x1  }
0x17: {  	s4 =	simm.s32 $0x1BF5;
	[smem:$0x3FBB] =	sst s0  }
0x18: {  	s0 =	sld [smem:$0x3F9E];
	_ =	swait.ge [sflag:s4], $0x0  }
0x19: {  	s7 =	sld [smem:$0x3F9F]  }
0x1a: {  	s8 =	sadd.s32 $0xFFFFE003, lr  }
0x1b: {  	s9 =	sadd.s32 $0xFFFFFEF7, lr;
	s5 =	simm.s32 $0xFFFFFFFF;
	p2 =	slt.u32 s8, $0xFFFFF086  }
0x1c: {  	p1 =	slt.u32 s9, $0xF7A;
	s5 =	simm.s32 @!p2 $0x0  }
0x1d: {  	s5 =	simm.s32 @p1 $0x1;
	p0 =	seq.s32 s7, s2  }
0x1e: {  	s7 =	smul.u32 @!p0 $0xF7A, s2;
	p2 =	seq.s32 @!p0 s5, $0x0  }
0x1f: {  	s9 =	smul.u32 $0xF7A, s1;
	s8 =	simm.s32 @!p0 $0x1BF5;
	p2 =	por !p2, p0  }
0x20: {  	[sflag:s8] =	ssyncset.s32 @!p0 $0xFFFFF086;
	s6 =	sadd.s32 @!p0 s3, s7;
	s7 =	simm.s32 @!p0 $0x108  }
0x21: {  	s3 =	sadd.s32 s3, s9;
	s6 =	sadd.s32 @!p0 $0x88, s6;
	s7 =	simm.s32 @p2 $0x1082  }
0x22: {  	[simem:s7], [sflag:s8] =	dma.local @!p0 [hbm:s6], $0xF7A  }
0x23: {  	s9 =	sor.u32 $0xD0000000, s2;
	s6 =	simm.s32 $0x108;
	_ =	swait.ge @!p0 [sflag:s8], $0x0  }
0x24: {  	s3 =	sadd.s32 $0x88, s3;
	s6 =	simm.s32 @!p1 $0x1082;
	[sflag:s4] =	ssyncset.s32 $0xFFFFF086  }
0x25: {  	[simem:s6], [sflag:s4] =	dma.local [hbm:s3], $0xF7A  }
0x26: {  	[smem:$0x3F9F] =	sst s1;
	(tag) =	ssettag s2;
	_ =	strace s9  }
0x27: {  	s1 =	sld [smem:$0x3FAF]  }
0x28: {  	s2 =	sld [smem:$0x3FB0]  }
0x29: {  	s4 =	sld [smem:$0x3FB2]  }
0x2a: {  	p0 =	seq.s32 s5, $0x0;
	s5 =	sld [smem:$0x3FB3]  }
0x2b: {  	s6 =	sld [smem:$0x3FB4]  }
0x2c: {  	s7 =	sld [smem:$0x3FB5]  }
0x2d: {  	s3 =	simm.s32 $0x108;
	s8 =	sld [smem:$0x3FB6]  }
0x2e: {  	s3 =	simm.s32 @!p0 $0x1082;
	s9 =	sld [smem:$0x3FB7]  }
0x2f: {  	lr =	sadd.s32 s0, s3;
	s0 =	sld [smem:$0x3FAE]  }
0x30: {  	s3 =	sld [smem:$0x3FB1]  }
0x31: {  	[smem:$0x3FBA] =	sst s10  }
0x32: {  	s10 =	sld [smem:$0x3FB8];
	_ =	sdelay $0x3  }
0x33: {  	p0 =	seq.s32 s10, $0x1;
	s10 =	sld [smem:$0x3FBA];
	_ =	sdelay $0x3  }
0x34: {  	[smem:$0x3FBA] =	sst s10  }
0x35: {  	s10 =	sld [smem:$0x3FB9];
	_ =	sdelay $0x3  }
0x36: {  	p1 =	seq.s32 s10, $0x1;
	s10 =	sld [smem:$0x3FBA];
	_ =	sdelay $0x3  }
0x37: {  	[smem:$0x3FBA] =	sst s10  }
0x38: {  	s10 =	sld [smem:$0x3FBB]  }
0x39: {  	_ = 	snop;
	(pc) =	sbr.ind lr, $3  }
0x3a: {  	_ = 	snop  }
0x3b: {  	_ = 	snop  }
0x3c: {  	p2 =	seq.s32 s10, $0x1;
	s10 =	sld [smem:$0x3FBA]  }
0x3d: {  	_ =	shalt  }
0x3e: {  	_ =	shalt  }
0x3f: {  	_ =	shalt  }
0x40: {  	_ =	shalt  }
0x41: {  	_ =	shalt  }
0x42: {  	_ =	shalt  }
0x43: {  	_ =	shalt  }
0x44: {  	_ =	shalt  }
0x45: {  	_ =	shalt  }
0x46: {  	_ =	shalt  }
0x47: {  	_ =	shalt  }
0x48: {  	_ =	shalt  }
0x49: {  	_ =	shalt  }
0x4a: {  	_ =	shalt  }
0x4b: {  	_ =	shalt  }
0x4c: {  	_ =	shalt  }
0x4d: {  	_ =	shalt  }
0x4e: {  	_ =	shalt  }
0x4f: {  	_ =	shalt  }
0x50: {  	_ =	shalt  }
0x51: {  	_ =	shalt  }
0x52: {  	_ =	shalt  }
0x53: {  	_ =	shalt  }
0x54: {  	_ =	shalt  }
0x55: {  	_ =	shalt  }
0x56: {  	_ =	shalt  }
0x57: {  	_ =	shalt  }
0x58: {  	_ =	shalt  }
0x59: {  	_ =	shalt  }
0x5a: {  	_ =	shalt  }
0x5b: {  	_ =	shalt  }
0x5c: {  	_ =	shalt  }
0x5d: {  	_ =	shalt  }
0x5e: {  	_ =	shalt  }
0x5f: {  	_ =	shalt  }
0x60: {  	_ =	shalt  }
0x61: {  	_ =	shalt  }
0x62: {  	_ =	shalt  }
0x63: {  	_ =	shalt  }
0x64: {  	_ =	shalt  }
0x65: {  	_ =	shalt  }
0x66: {  	_ =	shalt  }
0x67: {  	_ =	shalt  }
0x68: {  	_ =	shalt  }
0x69: {  	_ =	shalt  }
0x6a: {  	_ =	shalt  }
0x6b: {  	_ =	shalt  }
0x6c: {  	_ =	shalt  }
0x6d: {  	_ =	shalt  }
0x6e: {  	_ =	shalt  }
0x6f: {  	_ =	shalt  }
0x70: {  	_ =	shalt  }
0x71: {  	_ =	shalt  }
0x72: {  	_ =	shalt  }
0x73: {  	_ =	shalt  }
0x74: {  	_ =	shalt  }
0x75: {  	_ =	shalt  }
0x76: {  	_ =	shalt  }
0x77: {  	_ =	shalt  }
0x78: {  	_ =	shalt  }
0x79: {  	_ =	shalt  }
0x7a: {  	_ =	shalt  }
0x7b: {  	_ =	shalt  }
0x7c: {  	_ =	shalt  }
0x7d: {  	_ =	shalt  }
0x7e: {  	_ =	shalt  }
0x7f: {  	_ =	shalt  }
0x80: {  	_ =	shalt  }
0x81: {  	_ =	shalt  }
0x82: {  	_ =	shalt  }
0x83: {  	_ =	shalt  }
0x84: {  	_ =	shalt  }
0x85: {  	_ =	shalt  }
0x86: {  	_ =	shalt  }
0x87: {  	_ =	shalt  }
.Lfunc_end0:
.L_simem_size_0:
called_computation_lowered:
.L_overlay_start_0:
0x88: {  	s2 =	sld [smem:$0x3FD9]  }
0x89: {  	s3 =	sld [smem:$0x3FFE];
	_ =	sdelay $0x1  }
0x8a: {  	s1 =	srdreg.scid  }
0x8b: {  	s0 =	sand.u32 $0x1, s1  }
0x8c: {  	s14 =	sshll.u32 s0, $0xA;
	s2 =	sadd.s32 s3, s2  }
0x8d: {  	s2 =	sadd.s32 s2, s14  }
0x8e: {  	[smem:$0x3FC6] =	sst s2  }
0x8f: {  	_ = 	snop  }
0x90: {  	s2 =	sld [smem:$0x3FD0];
	_ =	sdelay $0x2  }
0x91: {  	s15 =	simm.s32 $0xA;
	s4 =	simm.s32 $0x10  }
0x92: {  	[smem:s4], [sflag:s15] =	dma.local [hbm:s2], $0x1  }
0x93: {  	_ =	swait.eq [sflag:s15], $0x1  }
0x94: {  	[sflag:s15] =	ssyncset.done $0x0  }
0x95: {  	s16 =	sld [smem:$0x10];
	[sflag:s15] =	ssyncadd.s32 $0xFFFFFFFF  }
0x96: {  	s17 =	sld [smem:$0x11];
	(tm) =	ssettm $0x1  }
0x97: {  	s18 =	sld [smem:$0x3FFB];
	_ =	sdelay $0x3  }
0x98: {  	_ =	strace s18  }
0x99: {  	s4 =	sld [smem:$0x3FFC];
	_ =	sdelay $0x3  }
0x9a: {  	_ =	strace s4  }
0x9b: {  	s4 =	sld [smem:$0x3FFD];
	_ =	sdelay $0x3  }
0x9c: {  	_ =	strace s4  }
0x9d: {  	_ =	strace $0x8FFFFFFF  }
0x9e: {  	s19 =	sld [smem:$0x3FDB];
	_ =	sdelay $0x1  }
0x9f: {  	s5 =	simm.s32 $_scs_section_size  }
0xa0: {  	s6 =	simm.s32 $_size__tile_overlayer_lowered;
	s7 =	simm.s32 $_tile_overlayer_lowered  }
0xa1: {  	s22 =	simm.s32 $0x1BFF;
	s21 =	sshll.u32 s7, $0x1;
	s4 =	sadd.s32 s5, s19  }
0xa2: {  	s8 =	simm.s32 $0x0;
	s20 =	sshll.u32 s6, $0x1;
	s6 =	sadd.s32 s21, s4  }
0xa3: {  	[timem:s8], [sflag:s22] =	dma.local [hbm:s6], s20  }
0xa4: {  	_ =	swait.ge [sflag:s22], s20  }
0xa5: {  	s5 =	ssub.s32 $0x0, s20;
	[sflag:s22] =	ssyncset.done $0x0  }
0xa6: {  	[sflag:s22] =	ssyncadd.s32 s5;
	_ =	sdelay $0x1  }
0xa7: {  	s23 =	simm.s32 $0x1B8B  }
0xa8: {  	_ =	swait.ge [sflag:s23], $0x1  }
0xa9: {  	[sflag:s23] =	ssyncset.done $0x0  }
0xaa: {  	s25 =	simm.s32 $0x1B8E;
	s24 =	sld [smem:$0x3FFE];
	[sflag:s23] =	ssyncadd.s32 $0xFFFFFFFF  }
0xab: {  	s26 =	simm.s32 $execute0_lowered;
	[smem:$0x3FD2] =	sst s25  }
0xac: {  	s6 =	sshll.u32 s26, $0x1;
	_ =	strace $0x80000046;
	[dreg:$0x1] =	wrdreg $0xFFFFFFFF  }
0xad: {  	s28 =	simm.s32 $_size_execute0_lowered;
	s4 =	sadd.s32 s4, s6;
	[dreg:$0x0] =	wrdreg $0x0  }
0xae: {  	s6 =	sshll.u32 s28, $0x1;
	[dreg:$0x2] =	wrdreg s4  }
0xaf: {  	[dreg:$0x3] =	wrdreg s6  }
0xb0: {  	[dreg:$0x4] =	wrdreg $0xC0  }
0xb1: {  	_ =	task [dreg:s8], $0x5FFFF  }
0xb2: {  	[dreg:$0x1] =	wrdreg $0xFFFFFFFF  }
0xb3: {  	[dreg:$0x0] =	wrdreg $0x60  }
0xb4: {  	[dreg:$0x2] =	wrdreg s17  }
0xb5: {  	[dreg:$0x3] =	wrdreg s16  }
0xb6: {  	[dreg:$0x4] =	wrdreg s24  }
0xb7: {  	[dreg:$0x5] =	wrdreg $0x9  }
0xb8: {  	_ =	task.clear_ibuf [dreg:s8], $0x6FFFF;
	_ =	strace $0x90000046  }
0xb9: {  	s29 =	simm.s32 $0x9;
	_ =	strace $0x80000048  }
0xba: {  	_ =	swait.ge [sflag:s29], $0x1  }
0xbb: {  	[sflag:s29] =	ssyncadd.s32 $0xFFFFFFFF  }
0xbc: {  	_ =	strace $0x90000048  }
0xbd: {  	_ =	sfence  }
0xbe: {  	s30 =	sld [smem:$0x0];
	_ =	sdelay $0x2  }
0xbf: {  	s31 =	sshll.u32 s1, $0xD;
	s1 =	sshrl.u32 s1, $0x2  }
0xc0: {  	s3 =	sand.u32 $0x4000, s31;
	s1 =	sadd.s32 s1, s30  }
0xc1: {  	s0 =	sor.u32 s3, s0;
	s1 =	sshll.u32 s1, $0x11  }
0xc2: {  	s0 =	sor.u32 s1, s0  }
0xc3: {  	s0 =	sadd.s32 $0x8F2B, s0  }
0xc4: {  	[sflag:s0] =	ssyncadd.remote.s32 $0x1  }
0xc5: {  	_ =	sfence.sel $0xFFFF  }
0xc6: {  	[dreg:$0x0] =	wrdreg $0xFFFFFFFF;
	(pc) =	sbr.abs _section_cstart, $3  }
0xc7: {  	[dreg:$0x1] =	wrdreg $0xFFFFFFFF  }
0xc8: {  	_ =	task.clear_ibuf [dreg:s8], $0x2FFFF;
	_ =	strace $0x9FFFFFFF  }
0xc9: {  	(tm) =	ssettm $0x7FFFFFFF  }
tec
execute0_lowered:
.L_overlay_start_1:
0x0: {  	(tag) =	ssettag $0x1  }
0x1: {  	s1 =	rddreg [dreg:$0x0]  }
0x2: {  	s4 =	rddreg [dreg:$0x1];
	s2 =	srdreg.scid  }
0x3: {  	s0 =	stileid.u32;
	s5 =	rddreg [dreg:$0x2];
	s10 =	simm.s32 $0x60  }
0x4: {  	s11 =	simm.s32 $0x280;
	s12 =	simm.s32 $0x1;
	s13 =	simm.s32 $0x3280  }
0x5: {  	s14 =	simm.s32 $0x2;
	s15 =	simm.s32 $0xC0;
	s16 =	simm.s32 $0x120  }
0x6: {  	s17 =	simm.s32 $0x180;
	s18 =	simm.s32 $0x1E0;
	s19 =	simm.s32 $0x6280  }
0x7: {  	s20 =	simm.s32 $0x0;
	s6 =	sand.u32 $0x1, s2;
	s3 =	sshll.u32 s0, $0x1  }
0x8: {  	s2 =	rddreg [dreg:$0x3];
	s8 =	sshrl.u32 s0, $0x2;
	s7 =	sor.u32 s6, s3  }
0x9: {  	s3 =	simm.s32 $0x0;
	s8 =	smul.u32 $0x1400, s8;
	s6 =	ssub.s32 $0x2, s6  }
0xa: {  	s9 =	sshll.u32 s7, $0x7;
	[smem:$0x7FF] =	sst s3;
	s7 =	smul.u32 $0x2400, s7  }
0xb: {  	s31 =	sshrl.u32 s6, $0x1;
	s9 =	sand.u32 $0x380, s9;
	_ =	strace $0x80000047  }
0xc: {  	s6 =	ssub.s32 s6, s31;
	s8 =	sor.u32 s8, s9;
	s5 =	sadd.s32 s5, s7  }
0xd: {  	s6 =	smax.u32 s6, $0x1;
	s7 =	simm.s32 $0x80;
	s8 =	sshrl.u32 s8, $0x3  }
0xe: {  	s9 =	simm.s32 $0x3;
	s4 =	sadd.s32 s4, s8;
	s8 =	simm.s32 $0x400  }
.LBB2_1:
0xf: {  	[tilespmem:s3], [sflag:$0x3] =	stream.strided.gather [hbm4b:s4+s7], $0x280, s8, s7, $0x38;
	[tilespmem:$0x18280] =	vst v63  }
0x10: {  	_ =	swait.ge [sflag:s9], $0x280  }
0x11: {  	[sflag:s9] =	ssyncset.done $0x0  }
0x12: {  	[sflag:s9] =	ssyncadd.s32 $0xFFFFFD80  }
0x13: {  	[tilespmem:s11], [sflag:$0x1] =	stream.indirect.gather [hbm4b:s1+s10], $0x80, s3, s10, $0xb8;
	[tilespmem:$0x18280] =	vst v63  }
0x14: {  	_ =	swait.ge [sflag:s12], $0x3000  }
0x15: {  	[sflag:s12] =	ssyncset.done $0x0  }
0x16: {  	s21 =	simm.s32 $0x0;
	[sflag:s12] =	ssyncadd.s32 $0xFFFFD000  }
0x17: {  	[tilespmem:s13], [sflag:$0x2] =	stream.indirect.gather [hbm4b:s1+s10], $0x80, s10, s10, $0xb8;
	[tilespmem:$0x18280] =	vst v63  }
0x18: {  	v0 =	vld [tilespmem:s21+$0x2B0]  }
0x19: {  	v1 =	vld [tilespmem:s21+$0x280]  }
0x1a: {  	v2 =	vld [tilespmem:s21+$0x290]  }
0x1b: {  	s22 =	simm.s32 $0x200;
	v3 =	vld [tilespmem:s21+$0x2A0]  }
.LBB2_2:
0x1c: {  	p0 =	sne.s32 s22, $0xBE00  }
.Ltmp0:
0x1d: {  	s23 =	sshra.s32 s22, $0x2;
	s22 =	sadd.s32 $0x200, s22;
	[tilespmem:s21+$0x62B0] =	vst v0;
	(pc) =	sbr.rel @p0 .LBB2_2-.Ltmp0, $4  }
0x1e: {  	v0 =	vld [tilespmem:s23+$0x2B0];
	[tilespmem:s21+$0x6280] =	vst v1  }
0x1f: {  	v1 =	vld [tilespmem:s23+$0x280];
	[tilespmem:s21+$0x6290] =	vst v2  }
0x20: {  	v2 =	vld [tilespmem:s23+$0x290];
	[tilespmem:s21+$0x62A0] =	vst v3;
	s21 =	smov.u32 s23  }
0x21: {  	v3 =	vld [tilespmem:s21+$0x2A0]  }
0x22: {  	_ = 	snop  }
0x23: {  	[tilespmem:s21+$0x62B0] =	vst v0  }
0x24: {  	[tilespmem:s21+$0x6280] =	vst v1  }
0x25: {  	[tilespmem:s21+$0x6290] =	vst v2  }
0x26: {  	[tilespmem:s21+$0x62A0] =	vst v3  }
0x27: {  	_ =	swait.ge [sflag:s14], $0x3000  }
0x28: {  	[sflag:s14] =	ssyncset.done $0x0  }
0x29: {  	s21 =	simm.s32 $0x0;
	[sflag:s14] =	ssyncadd.s32 $0xFFFFD000  }
0x2a: {  	[tilespmem:s11], [sflag:$0x1] =	stream.indirect.gather [hbm4b:s1+s10], $0x80, s15, s10, $0xb8;
	[tilespmem:$0x18280] =	vst v63  }
0x2b: {  	v0 =	vld [tilespmem:s21+$0x32B0]  }
0x2c: {  	v1 =	vld [tilespmem:s21+$0x3280]  }
0x2d: {  	v2 =	vld [tilespmem:s21+$0x3290]  }
0x2e: {  	s22 =	simm.s32 $0x200;
	v3 =	vld [tilespmem:s21+$0x32A0]  }
.LBB2_4:
0x2f: {  	p0 =	sne.s32 s22, $0xBE00  }
.Ltmp1:
0x30: {  	s23 =	sshra.s32 s22, $0x2;
	s22 =	sadd.s32 $0x200, s22;
	[tilespmem:s21+$0x92B0] =	vst v0;
	(pc) =	sbr.rel @p0 .LBB2_4-.Ltmp1, $4  }
0x31: {  	v0 =	vld [tilespmem:s23+$0x32B0];
	[tilespmem:s21+$0x9280] =	vst v1  }
0x32: {  	v1 =	vld [tilespmem:s23+$0x3280];
	[tilespmem:s21+$0x9290] =	vst v2  }
0x33: {  	v2 =	vld [tilespmem:s23+$0x3290];
	[tilespmem:s21+$0x92A0] =	vst v3;
	s21 =	smov.u32 s23  }
0x34: {  	v3 =	vld [tilespmem:s21+$0x32A0]  }
0x35: {  	_ = 	snop  }
0x36: {  	[tilespmem:s21+$0x92B0] =	vst v0  }
0x37: {  	[tilespmem:s21+$0x9280] =	vst v1  }
0x38: {  	[tilespmem:s21+$0x9290] =	vst v2  }
0x39: {  	[tilespmem:s21+$0x92A0] =	vst v3  }
0x3a: {  	_ =	swait.ge [sflag:s12], $0x3000  }
0x3b: {  	[sflag:s12] =	ssyncset.done $0x0  }
0x3c: {  	s21 =	simm.s32 $0x0;
	[sflag:s12] =	ssyncadd.s32 $0xFFFFD000  }
0x3d: {  	[tilespmem:s13], [sflag:$0x2] =	stream.indirect.gather [hbm4b:s1+s10], $0x80, s16, s10, $0xb8;
	[tilespmem:$0x18280] =	vst v63  }
0x3e: {  	v0 =	vld [tilespmem:s21+$0x2B0]  }
0x3f: {  	v1 =	vld [tilespmem:s21+$0x280]  }
0x40: {  	v2 =	vld [tilespmem:s21+$0x290]  }
0x41: {  	s22 =	simm.s32 $0x200;
	v3 =	vld [tilespmem:s21+$0x2A0]  }
.LBB2_6:
0x42: {  	p0 =	sne.s32 s22, $0xBE00  }
.Ltmp2:
0x43: {  	s23 =	sshra.s32 s22, $0x2;
	s22 =	sadd.s32 $0x200, s22;
	[tilespmem:s21+$0xC2B0] =	vst v0;
	(pc) =	sbr.rel @p0 .LBB2_6-.Ltmp2, $4  }
0x44: {  	v0 =	vld [tilespmem:s23+$0x2B0];
	[tilespmem:s21+$0xC280] =	vst v1  }
0x45: {  	v1 =	vld [tilespmem:s23+$0x280];
	[tilespmem:s21+$0xC290] =	vst v2  }
0x46: {  	v2 =	vld [tilespmem:s23+$0x290];
	[tilespmem:s21+$0xC2A0] =	vst v3;
	s21 =	smov.u32 s23  }
0x47: {  	v3 =	vld [tilespmem:s21+$0x2A0]  }
0x48: {  	_ = 	snop  }
0x49: {  	[tilespmem:s21+$0xC2B0] =	vst v0  }
0x4a: {  	[tilespmem:s21+$0xC280] =	vst v1  }
0x4b: {  	[tilespmem:s21+$0xC290] =	vst v2  }
0x4c: {  	[tilespmem:s21+$0xC2A0] =	vst v3  }
0x4d: {  	_ =	swait.ge [sflag:s14], $0x3000  }
0x4e: {  	[sflag:s14] =	ssyncset.done $0x0  }
0x4f: {  	s21 =	simm.s32 $0x0;
	[sflag:s14] =	ssyncadd.s32 $0xFFFFD000  }
0x50: {  	[tilespmem:s11], [sflag:$0x1] =	stream.indirect.gather [hbm4b:s1+s10], $0x80, s17, s10, $0xb8;
	[tilespmem:$0x18280] =	vst v63  }
0x51: {  	v0 =	vld [tilespmem:s21+$0x32B0]  }
0x52: {  	v1 =	vld [tilespmem:s21+$0x3280]  }
0x53: {  	v2 =	vld [tilespmem:s21+$0x3290]  }
0x54: {  	s22 =	simm.s32 $0x200;
	v3 =	vld [tilespmem:s21+$0x32A0]  }
.LBB2_8:
0x55: {  	p0 =	sne.s32 s22, $0xBE00  }
.Ltmp3:
0x56: {  	s23 =	sshra.s32 s22, $0x2;
	s22 =	sadd.s32 $0x200, s22;
	[tilespmem:s21+$0xF2B0] =	vst v0;
	(pc) =	sbr.rel @p0 .LBB2_8-.Ltmp3, $4  }
0x57: {  	v0 =	vld [tilespmem:s23+$0x32B0];
	[tilespmem:s21+$0xF280] =	vst v1  }
0x58: {  	v1 =	vld [tilespmem:s23+$0x3280];
	[tilespmem:s21+$0xF290] =	vst v2  }
0x59: {  	v2 =	vld [tilespmem:s23+$0x3290];
	[tilespmem:s21+$0xF2A0] =	vst v3;
	s21 =	smov.u32 s23  }
0x5a: {  	v3 =	vld [tilespmem:s21+$0x32A0]  }
0x5b: {  	_ = 	snop  }
0x5c: {  	[tilespmem:s21+$0xF2B0] =	vst v0  }
0x5d: {  	[tilespmem:s21+$0xF280] =	vst v1  }
0x5e: {  	[tilespmem:s21+$0xF290] =	vst v2  }
0x5f: {  	[tilespmem:s21+$0xF2A0] =	vst v3  }
0x60: {  	_ =	swait.ge [sflag:s12], $0x3000  }
0x61: {  	[sflag:s12] =	ssyncset.done $0x0  }
0x62: {  	s21 =	simm.s32 $0x0;
	[sflag:s12] =	ssyncadd.s32 $0xFFFFD000  }
0x63: {  	[tilespmem:s13], [sflag:$0x2] =	stream.indirect.gather [hbm4b:s1+s10], $0x80, s18, s10, $0xb8;
	[tilespmem:$0x18280] =	vst v63  }
0x64: {  	v0 =	vld [tilespmem:s21+$0x2B0]  }
0x65: {  	v1 =	vld [tilespmem:s21+$0x280]  }
0x66: {  	v2 =	vld [tilespmem:s21+$0x290]  }
0x67: {  	s22 =	simm.s32 $0x200;
	v3 =	vld [tilespmem:s21+$0x2A0]  }
.LBB2_10:
0x68: {  	p0 =	sne.s32 s22, $0xBE00  }
.Ltmp4:
0x69: {  	s23 =	sshra.s32 s22, $0x2;
	s22 =	sadd.s32 $0x200, s22;
	[tilespmem:s21+$0x122B0] =	vst v0;
	(pc) =	sbr.rel @p0 .LBB2_10-.Ltmp4, $4  }
0x6a: {  	v0 =	vld [tilespmem:s23+$0x2B0];
	[tilespmem:s21+$0x12280] =	vst v1  }
0x6b: {  	v1 =	vld [tilespmem:s23+$0x280];
	[tilespmem:s21+$0x12290] =	vst v2  }
0x6c: {  	v2 =	vld [tilespmem:s23+$0x290];
	[tilespmem:s21+$0x122A0] =	vst v3;
	s21 =	smov.u32 s23  }
0x6d: {  	v3 =	vld [tilespmem:s21+$0x2A0]  }
0x6e: {  	_ = 	snop  }
0x6f: {  	[tilespmem:s21+$0x122B0] =	vst v0  }
0x70: {  	[tilespmem:s21+$0x12280] =	vst v1  }
0x71: {  	[tilespmem:s21+$0x12290] =	vst v2  }
0x72: {  	[tilespmem:s21+$0x122A0] =	vst v3  }
0x73: {  	_ =	swait.ge [sflag:s14], $0x3000  }
0x74: {  	[sflag:s14] =	ssyncset.done $0x0  }
0x75: {  	s21 =	simm.s32 $0x0;
	[sflag:s14] =	ssyncadd.s32 $0xFFFFD000  }
0x76: {  	v0 =	vld [tilespmem:s21+$0x32B0]  }
0x77: {  	v1 =	vld [tilespmem:s21+$0x3280]  }
0x78: {  	v2 =	vld [tilespmem:s21+$0x3290]  }
0x79: {  	s22 =	simm.s32 $0x200;
	v3 =	vld [tilespmem:s21+$0x32A0]  }
.LBB2_12:
0x7a: {  	p0 =	sne.s32 s22, $0xBE00  }
.Ltmp5:
0x7b: {  	s23 =	sshra.s32 s22, $0x2;
	s22 =	sadd.s32 $0x200, s22;
	[tilespmem:s21+$0x152B0] =	vst v0;
	(pc) =	sbr.rel @p0 .LBB2_12-.Ltmp5, $4  }
0x7c: {  	v0 =	vld [tilespmem:s23+$0x32B0];
	[tilespmem:s21+$0x15280] =	vst v1  }
0x7d: {  	v1 =	vld [tilespmem:s23+$0x3280];
	[tilespmem:s21+$0x15290] =	vst v2  }
0x7e: {  	v2 =	vld [tilespmem:s23+$0x3290];
	[tilespmem:s21+$0x152A0] =	vst v3;
	s21 =	smov.u32 s23  }
0x7f: {  	v3 =	vld [tilespmem:s21+$0x32A0]  }
0x80: {  	_ = 	snop  }
0x81: {  	[tilespmem:s21+$0x152B0] =	vst v0  }
0x82: {  	s20 =	sadd.s32 $0x1, s20;
	[tilespmem:s21+$0x15280] =	vst v1  }
0x83: {  	p0 =	sne.s32 s20, s6;
	[tilespmem:s21+$0x15290] =	vst v2  }
.Ltmp6:
0x84: {  	[tilespmem:s21+$0x152A0] =	vst v3;
	(pc) =	sbr.rel @p0 .LBB2_1-.Ltmp6, $4  }
0x85: {  	[hbm4b:s5+s3] =	stream.linear.scatter [tilespmem:s19], [sflag:$0x3], $0x12000, $0x38;
	[tilespmem:$0x18280] =	vst v63  }
0x86: {  	_ =	swait.ge [sflag:s9], $0x12000  }
0x87: {  	[sflag:s9] =	ssyncset.done $0x0  }
0x88: {  	[sflag:s9] =	ssyncadd.s32 $0xFFFEE000  }
0x89: {  	_ =	sfence.sel $0x180000  }
0x8a: {  	[bflag:$0x0] =	sbarrier.arrive $0xFFFF  }
0x8b: {  	p0 =	sne.s32 s0, $0x0;
	_ =	strace $0x90000047  }
0x8c: {  	s0 =	sadd.s32 @!p0 $0x100000, s2;
	[bflag:$0x2] =	sbarrier.arrive $0xFFFF  }
0x8d: {  	[sflag:s0] =	ssyncadd.tile.s32 @!p0 $0x1;
	_ =	shalt  }
.Lfunc_end2:
_tile_overlayer_lowered:
.L_overlay_start_2:
0x8e: {  	(tag) =	ssettag $0x2  }
0x8f: {  	s0 =	rddreg [dreg:$0x0];
	s2 =	stileid.u32  }
0x90: {  	s1 =	rddreg [dreg:$0x1];
	p0 =	sne.s32 s2, $0x0  }
0x91: {  	s3 =	rddreg [dreg:$0x2];
	[bflag:$0x3] =	sbarrier.arrive $0xFFFF;
	s2 =	simm.s32 @!p0 $0x1C03  }
0x92: {  	[timem:s3], [sflag:s2] =	dma.local @!p0 [hbm:s0], s1  }
0x93: {  	s0 =	simm.s32 @!p0 $0x3  }
0x94: {  	_ =	swait.ge @!p0 [sflag:s0], s1  }
0x95: {  	s1 =	ssub.s32 @!p0 $0x0, s1;
	[sflag:s0] =	ssyncset.done @!p0 $0x0  }
0x96: {  	[sflag:s0] =	ssyncadd.s32 @!p0 s1  }
0x97: {  	[bflag:$0x3] =	sbarrier.arrive $0xFFFF  }
0x98: {  	_ =	shalt  }

</sc_bundles>
